<compile_context>
chip_gen: v7x
topology: tpu7x:2x2x1
jax: 0.10.2.dev20260603
libtpu: 0.0.44.dev20260713+nightly
codegen_flags: <defaults>
</compile_context>

<pallas_src>
import functools

import jax
import jax.numpy as jnp
from jax import lax
from jax.experimental import pallas as pl
from jax.experimental.pallas import tpu as pltpu
from jax.experimental.pallas import tpu_sc as plsc

_NW = 32
_CB = 125
_NCH = 25
_NP = _NW * _NCH * _CB
_NC = _NW * _NCH
_BN2 = 2000
_NBLK2 = _NP // _BN2
_ZPAD = 8192
_BIG = 1 << 29
_NPM = 100096


def _min_body(x_ref, y_ref, z_ref, ox_ref, oy_ref, oz_ref):
    ox_ref[...] = jnp.min(x_ref[...], axis=0, keepdims=True)
    oy_ref[...] = jnp.min(y_ref[...], axis=0, keepdims=True)
    oz_ref[...] = jnp.min(z_ref[...], axis=0, keepdims=True)


def _proj_body(shift_ref, lm_ref, intr_ref, xs_ref, ys_ref, zs_ref,
               pk_ref, cnt_ref, rc_ref, *, H, W, HW):
    sx = shift_ref[0, 1]
    sy = shift_ref[0, 2]
    sz = shift_ref[0, 3]
    lx = (xs_ref[0, 0, :] - sx).astype(jnp.float32) + 0.5
    ly = (ys_ref[0, 0, :] - sy).astype(jnp.float32) + 0.5
    lz = (zs_ref[0, 0, :] - sz).astype(jnp.float32) + 0.5
    fx = intr_ref[0, 0]
    fy = intr_ref[0, 1]
    cx = intr_ref[0, 2]
    cy = intr_ref[0, 3]
    cnt = jnp.zeros(lx.shape, jnp.int32)
    for v in range(4):
        cam0 = lx * lm_ref[3 * v + 0, 0] + ly * lm_ref[3 * v + 0, 1] \
            + lz * lm_ref[3 * v + 0, 2] + lm_ref[3 * v + 0, 3]
        cam1 = lx * lm_ref[3 * v + 1, 0] + ly * lm_ref[3 * v + 1, 1] \
            + lz * lm_ref[3 * v + 1, 2] + lm_ref[3 * v + 1, 3]
        z = lx * lm_ref[3 * v + 2, 0] + ly * lm_ref[3 * v + 2, 1] \
            + lz * lm_ref[3 * v + 2, 2] + lm_ref[3 * v + 2, 3]
        zc = jnp.where(jnp.abs(z) < 1e-6, 1e-6, z)
        u = fx * cam0 / zc + cx
        vv = fy * cam1 / zc + cy
        valid = (z >= 0.1 / 0.05) & (z <= 4.0 / 0.05) \
            & (u >= 0.0) & (u < float(W)) & (vv >= 0.0) & (vv < float(H))
        ui = jnp.floor(jnp.clip(u, 0.0, float(W - 1))).astype(jnp.int32)
        vi = jnp.floor(jnp.clip(vv, 0.0, float(H - 1))).astype(jnp.int32)
        lin = v * HW + vi * W + ui
        lane = jax.lax.iota(jnp.int32, _BN2)
        pad_idx = 4 * HW + ((lane * 4 + v) & (_ZPAD - 1))
        pk_ref[0, v, :] = jnp.where(valid, lin, pad_idx)
        cnt = cnt + valid.astype(jnp.int32)
    cnt_ref[0, 0, :] = cnt
    rc_ref[0, 0, :] = 1.0 / (cnt.astype(jnp.float32) + 1e-4)


def _sc_body(feats_hbm, pk_hbm, rc_hbm, out_hbm, g, sem):
    def _step(iv, rv, ov):
        pltpu.async_copy(feats_hbm.at[iv.at[0, 0]], g, sem).wait()
        z16 = jax.lax.iota(jnp.int32, 16) * 0

        @pl.loop(0, _CB)
        def _row(r):
            rb = plsc.load_gather(rv, [z16, z16, z16 + r])
            for c in range(4):
                sl = pl.ds(c * 16, 16)
                a = g[r, sl] + g[128 + r, sl]
                b = g[256 + r, sl] + g[384 + r, sl]
                ov[r, sl] = (a + b) * rb

    pltpu.emit_pipeline(
        _step,
        grid=(_NC,),
        in_specs=[
            pl.BlockSpec((1, 1, 512), lambda i: (i, 0, 0)),
            pl.BlockSpec((1, 1, 128), lambda i: (i, 0, 0)),
        ],
        out_specs=[pl.BlockSpec((_CB, 64), lambda i: (i, 0))],
        core_axis_name=("c", "s"),
        dimension_semantics=(pltpu.PARALLEL,),
    )(pk_hbm, rc_hbm, out_hbm)


def kernel(encoded_2d_features, coords, view_matrix, intrinsic_params):
    B, V, H, W, C = encoded_2d_features.shape
    N = coords.shape[0]
    HW = H * W

    xs = coords[:, 1]
    ys = coords[:, 2]
    zs = coords[:, 3]
    xs3 = xs.reshape(_NBLK2, 1, _BN2)
    ys3 = ys.reshape(_NBLK2, 1, _BN2)
    zs3 = zs.reshape(_NBLK2, 1, _BN2)

    padm = _NPM - N
    mx, my, mz = pl.pallas_call(
        _min_body,
        out_shape=[jax.ShapeDtypeStruct((1, 128), jnp.int32)] * 3,
    )(jnp.pad(xs, (0, padm), constant_values=_BIG).reshape(_NPM // 128, 128),
      jnp.pad(ys, (0, padm), constant_values=_BIG).reshape(_NPM // 128, 128),
      jnp.pad(zs, (0, padm), constant_values=_BIG).reshape(_NPM // 128, 128))
    sx = jnp.min(mx)
    sy = jnp.min(my)
    sz = jnp.min(mz)
    shift4 = jnp.stack([jnp.int32(0), sx, sy, sz]).reshape(1, 4)

    shift_f = jnp.stack([sx, sy, sz]).astype(jnp.float32)
    lview = view_matrix[0].at[:, :3, 3].add(-shift_f)
    lm = lview[:, :3, :].reshape(12, 4)
    intr = intrinsic_params.reshape(1, 4)

    blk = pl.BlockSpec((1, 1, _BN2), lambda i: (i, 0, 0))
    smem = pl.BlockSpec(memory_space=pltpu.SMEM)
    pk_raw, cnt, rc = pl.pallas_call(
        functools.partial(_proj_body, H=H, W=W, HW=HW),
        grid=(_NBLK2,),
        in_specs=[smem, smem, smem, blk, blk, blk],
        out_specs=[pl.BlockSpec((1, 4, _BN2), lambda i: (i, 0, 0)), blk, blk],
        out_shape=[
            jax.ShapeDtypeStruct((_NBLK2, 4, _BN2), jnp.int32),
            jax.ShapeDtypeStruct((_NBLK2, 1, _BN2), jnp.int32),
            jax.ShapeDtypeStruct((_NBLK2, 1, _BN2), jnp.float32),
        ],
    )(shift4, lm, intr, xs3, ys3, zs3)
    pk4 = pk_raw.reshape(_NBLK2, 4, _BN2 // _CB, _CB).transpose(0, 2, 1, 3) \
        .reshape(_NC, 4, _CB)
    padcols = 4 * HW + (jnp.arange(_NC * 4 * 3, dtype=jnp.int32)
                        .reshape(_NC, 4, 3) & (_ZPAD - 1))
    pk = jnp.concatenate([pk4, padcols], axis=2).reshape(_NC, 1, 512)
    rc2 = jnp.pad(rc.reshape(_NC, _CB), ((0, 0), (0, 3))).reshape(_NC, 1, 128)

    mesh = plsc.VectorSubcoreMesh(core_axis_name="c", subcore_axis_name="s")
    sc = pl.kernel(
        _sc_body,
        mesh=mesh,
        compiler_params=pltpu.CompilerParams(
            use_tc_tiling_on_sc=False, needs_layout_passes=False),
        out_type=jax.ShapeDtypeStruct((_NP, C), jnp.float32),
        scratch_types=[
            pltpu.VMEM((512, C), jnp.float32),
            pltpu.SemaphoreType.DMA,
        ],
    )
    feats_tbl = jnp.concatenate(
        [encoded_2d_features.reshape(-1),
         jnp.zeros((_ZPAD * C,), jnp.float32)]).reshape(V * HW + _ZPAD, C)
    out_full = sc(feats_tbl, pk, rc2)

    return out_full, cnt.reshape(_NP)

# --- scband reference (transcript-rebuilt; emitter-appended) ---
"""Pipeline reference for scband-project2-dfeatures-cuda-42597485641916 (READ-ONLY COPY).

The authoritative reference and input builder live on the scoring server;
editing this copy changes nothing except your own understanding.
"""

import jax, jax.numpy as jnp
import numpy as np

IMG_W = 256
IMG_H = 192
VOXEL_SIZE = 0.05
DEPTH_MIN = 0.1 / VOXEL_SIZE
DEPTH_MAX = 4.0 / VOXEL_SIZE


def setup_inputs(seed: int = 0) -> dict:
    key = jax.random.key(seed)
    k1, k2 = jax.random.split(key, 2)
    B, V, C, N = 1, 4, 64, 100000
    feats = jax.random.normal(k1, (B, V, IMG_H, IMG_W, C), dtype=jnp.float32)
    xyz = jax.random.randint(k2, (N, 3), 0, 128, dtype=jnp.int32)
    coords = jnp.concatenate([jnp.zeros((N, 1), jnp.int32), xyz], axis=1)
    view = np.tile(np.eye(4, dtype=np.float32), (B, V, 1, 1))
    for v in range(V):
        view[0, v, :3, 3] = np.array([-64.0 + 4.0 * v, -64.0, 20.0 + 5.0 * v], dtype=np.float32)
    view_matrix = jnp.asarray(view)
    intrinsic_params = jnp.array([60.0, 60.0, IMG_W / 2.0, IMG_H / 2.0], dtype=jnp.float32)
    return {
        'encoded_2d_features': feats,
        'coords': coords,
        'view_matrix': view_matrix,
        'intrinsic_params': intrinsic_params,
    }


def _project(feats, coords, view_matrix, intr):
    # Faithful jnp re-implementation of the project_features_cuda kernel semantics:
    # per-batch coord shift, world->camera transform, pinhole projection with depth
    # clipping, gather of 2D features at projected pixels, scatter-add into per-voxel
    # accumulator, count of contributing (view,pixel) hits, then mean via count+1e-4.
    B, V, H, W, C = feats.shape
    N = coords.shape[0]
    fx, fy, cx, cy = intr[0], intr[1], intr[2], intr[3]
    batch_ids = coords[:, 0]
    proj = jnp.zeros((N, C), jnp.float32)
    count = jnp.zeros((N,), jnp.int32)
    vox_ids = jnp.arange(N)
    for b in range(B):
        bm = batch_ids == b
        big = jnp.array(2 ** 31 - 1, coords.dtype)
        shift = jnp.min(jnp.where(bm[:, None], coords[:, 1:], big), axis=0)
        local = (coords[:, 1:] - shift).astype(jnp.float32) + 0.5
        lview = view_matrix[b].at[:, :3, 3].add(-shift.astype(jnp.float32))
        hom = jnp.concatenate([local, jnp.ones((N, 1), jnp.float32)], axis=1)
        for v in range(V):
            cam = hom @ lview[v].T  # [N,4]
            z = cam[:, 2]
            zs = jnp.where(jnp.abs(z) < 1e-6, 1e-6, z)
            u = fx * cam[:, 0] / zs + cx
            vpx = fy * cam[:, 1] / zs + cy
            ui = jnp.floor(u).astype(jnp.int32)
            vi = jnp.floor(vpx).astype(jnp.int32)
            valid = bm & (z >= DEPTH_MIN) & (z <= DEPTH_MAX) & (ui >= 0) & (ui < W) & (vi >= 0) & (vi < H)
            uic = jnp.clip(ui, 0, W - 1)
            vic = jnp.clip(vi, 0, H - 1)
            lin = vic * W + uic
            gathered = jnp.take(feats[b, v].reshape(H * W, C), lin, axis=0)  # gather
            mf = valid.astype(jnp.float32)[:, None]
            proj = proj.at[vox_ids].add(gathered * mf)  # scatter-add into voxel memory
            count = count + valid.astype(jnp.int32)
    out = proj / (count[:, None].astype(jnp.float32) + 0.0001)
    return out, count


def reference(encoded_2d_features, coords, view_matrix, intrinsic_params):
    projected_features, mapping2dto3d_num = _project(
        encoded_2d_features, coords, view_matrix, intrinsic_params)
    return projected_features, mapping2dto3d_num

if __name__ == "__main__":
    import jax
    _d = setup_inputs()
    print(jax.jit(kernel)(*tuple(_d.values())))

</pallas_src>

<mosaic_0001>
#map = affine_map<(d0, d1) -> (0, 0)>
#map1 = affine_map<(d0, d1) -> (0, 0, 0)>
module attributes {stable_mosaic.version = 14 : i64} {
  func.func @_sc_body(%arg0: i32, %arg1: i32, %arg2: memref<204800x64xf32, #tpu.memory_space<hbm>>, %arg3: memref<800x1x512xi32, #tpu.memory_space<hbm>>, %arg4: memref<800x1x128xf32, #tpu.memory_space<hbm>>, %arg5: memref<100000x64xf32, #tpu.memory_space<hbm>>, %arg6: memref<512x64xf32, #tpu.memory_space<vmem>>, %arg7: memref<!tpu.dma_semaphore, #tpu.memory_space<semaphore_mem>>) attributes {dimension_semantics = [#tpu.dimension_semantics<core_parallel>, #tpu.dimension_semantics<subcore_parallel>], iteration_bounds = array<i64: 2, 16>, scalar_prefetch = 0 : i64, scratch_operands = 2 : i64, tpu.core_type = #tpu.core_type<sc_vector_subcore>, window_params = [{transform_indices = #map}, {transform_indices = #map1}, {transform_indices = #map1}, {transform_indices = #map}]} {
    %mul3A = arith.constant 1 : i32
    %mul3A_0 = arith.muli %arg1, %mul3A : i32
    %add3A = arith.constant 0 : i32
    %add3A_1 = arith.addi %add3A, %mul3A_0 : i32
    %mul3A_2 = arith.constant 16 : i32
    %mul3A_3 = arith.muli %arg0, %mul3A_2 : i32
    %add3A_4 = arith.addi %add3A_1, %mul3A_3 : i32
    %mul3A_5 = arith.constant 25 : i32
    %mul3A_6 = arith.muli %add3A_4, %mul3A_5 : i32
    "tpu.region"() ({
      %run_scoped3A = memref.alloca() : memref<2x1x1x512xi32, #tpu.memory_space<vmem>>
      %run_scoped3A_7 = tpu.sem_alloc : memref<2x!tpu.dma_semaphore, #tpu.memory_space<semaphore_mem>>
      %run_scoped3A_8 = memref.alloca() : memref<2x1x1x128xf32, #tpu.memory_space<vmem>>
      %run_scoped3A_9 = tpu.sem_alloc : memref<2x!tpu.dma_semaphore, #tpu.memory_space<semaphore_mem>>
      %run_scoped3A_10 = memref.alloca() : memref<2x125x64xf32, #tpu.memory_space<vmem>>
      %run_scoped3A_11 = tpu.sem_alloc : memref<2x!tpu.dma_semaphore, #tpu.memory_space<semaphore_mem>>
      %add3A_12 = arith.constant 0 : i32
      %add3A_13 = arith.addi %add3A_12, %mul3A_6 : i32
      %select_n3A = arith.constant true
      %select_n3A_14 = arith.constant 0 : i32
      %select_n3A_15 = arith.constant -1 : i32
      %select_n3A_16 = arith.select %select_n3A, %select_n3A_15, %select_n3A_14 : i32
      %eq3A = arith.constant -1 : i32
      %eq3A_17 = arith.cmpi eq, %select_n3A_16, %eq3A : i32
      %select_n3A_18 = arith.constant 24 : i32
      %select_n3A_19 = arith.select %eq3A_17, %select_n3A_18, %select_n3A_16 : i32
      %add3A_20 = arith.addi %select_n3A_19, %mul3A_6 : i32
      %select_n3A_21 = arith.constant true
      %select_n3A_22 = arith.constant 0 : i32
      %select_n3A_23 = arith.constant 1 : i32
      %select_n3A_24 = arith.select %select_n3A_21, %select_n3A_23, %select_n3A_22 : i32
      %eq3A_25 = arith.constant 25 : i32
      %eq3A_26 = arith.cmpi eq, %select_n3A_24, %eq3A_25 : i32
      %select_n3A_27 = arith.constant 0 : i32
      %select_n3A_28 = arith.select %eq3A_26, %select_n3A_27, %select_n3A_24 : i32
      %add3A_29 = arith.addi %select_n3A_28, %mul3A_6 : i32
      %add3A_30 = arith.constant 1 : i32
      %add3A_31 = arith.addi %select_n3A_28, %add3A_30 : i32
      %select_n3A_32 = arith.constant true
      %select_n3A_33 = arith.select %select_n3A_32, %add3A_31, %select_n3A_28 : i32
      %eq3A_34 = arith.constant 25 : i32
      %eq3A_35 = arith.cmpi eq, %select_n3A_33, %eq3A_34 : i32
      %select_n3A_36 = arith.constant 0 : i32
      %select_n3A_37 = arith.select %eq3A_35, %select_n3A_36, %select_n3A_33 : i32
      %add3A_38 = arith.addi %select_n3A_37, %mul3A_6 : i32
      "tpu.trace_start"() <{level = 10 : i32, message = "ep_initialize_0"}> : () -> ()
      %rem3A = arith.constant 0 : i32
      %rem3A_39 = arith.constant 2 : i32
      %rem3A_40 = arith.remui %rem3A, %rem3A_39 : i32
      %mul3A_41 = arith.constant 1 : i32
      %mul3A_42 = arith.muli %mul3A_41, %add3A_13 : i32
      %dma_start3A = arith.constant 0 : i32
      %dma_start3A_43 = arith.constant 0 : i32
      %dma_start3A_44 = arith.constant 0 : i32
      %dma_start3A_45 = tpu.memref_slice %run_scoped3A[%rem3A_40, %dma_start3A, %dma_start3A_43, %dma_start3A_44] : memref<2x1x1x512xi32, #tpu.memory_space<vmem>> -> memref<1x1x1x512xi32, #tpu.memory_space<vmem>>
      %dma_start3A_46 = tpu.memref_squeeze %dma_start3A_45 : memref<1x1x1x512xi32, #tpu.memory_space<vmem>> -> memref<1x1x512xi32, #tpu.memory_space<vmem>>
      %dma_start3A_47 = arith.constant 0 : i32
      %dma_start3A_48 = arith.constant 0 : i32
      %dma_start3A_49 = tpu.memref_slice %arg3[%mul3A_42, %dma_start3A_47, %dma_start3A_48] : memref<800x1x512xi32, #tpu.memory_space<hbm>> -> memref<1x1x512xi32, #tpu.memory_space<hbm>>
      %dma_start3A_50 = tpu.memref_slice %run_scoped3A_7[%rem3A_40] : memref<2x!tpu.dma_semaphore, #tpu.memory_space<semaphore_mem>> -> memref<1x!tpu.dma_semaphore, #tpu.memory_space<semaphore_mem>>
      %dma_start3A_51 = tpu.memref_squeeze %dma_start3A_50 : memref<1x!tpu.dma_semaphore, #tpu.memory_space<semaphore_mem>> -> memref<!tpu.dma_semaphore, #tpu.memory_space<semaphore_mem>>
      %dma_start3A_52 = arith.constant 0 : i32
      %dma_start3A_53 = arith.constant 0 : i32
      %dma_start3A_54 = arith.constant 0 : i32
      %dma_start3A_55 = tpu.memref_slice %run_scoped3A[%rem3A_40, %dma_start3A_52, %dma_start3A_53, %dma_start3A_54] : memref<2x1x1x512xi32, #tpu.memory_space<vmem>> -> memref<1x1x1x512xi32, #tpu.memory_space<vmem>>
      %dma_start3A_56 = tpu.memref_squeeze %dma_start3A_55 : memref<1x1x1x512xi32, #tpu.memory_space<vmem>> -> memref<1x1x512xi32, #tpu.memory_space<vmem>>
      %dma_start3A_57 = arith.constant 0 : i32
      %dma_start3A_58 = arith.constant 0 : i32
      %dma_start3A_59 = tpu.memref_slice %arg3[%mul3A_42, %dma_start3A_57, %dma_start3A_58] : memref<800x1x512xi32, #tpu.memory_space<hbm>> -> memref<1x1x512xi32, #tpu.memory_space<hbm>>
      tpu.enqueue_dma source(%dma_start3A_59 : memref<1x1x512xi32, #tpu.memory_space<hbm>>) target(%dma_start3A_56 : memref<1x1x512xi32, #tpu.memory_space<vmem>>) target_semaphore(%dma_start3A_51 : memref<!tpu.dma_semaphore, #tpu.memory_space<semaphore_mem>>)
      %add3A_60 = arith.constant 0 : i32
      %add3A_61 = arith.constant 1 : i32
      %add3A_62 = arith.addi %add3A_60, %add3A_61 : i32
      %select_n3A_63 = arith.constant true
      %select_n3A_64 = arith.constant 0 : i32
      %select_n3A_65 = arith.select %select_n3A_63, %add3A_62, %select_n3A_64 : i32
      %rem3A_66 = arith.constant 0 : i32
      %rem3A_67 = arith.constant 2 : i32
      %rem3A_68 = arith.remui %rem3A_66, %rem3A_67 : i32
      %mul3A_69 = arith.constant 1 : i32
      %mul3A_70 = arith.muli %mul3A_69, %add3A_13 : i32
      %dma_start3A_71 = arith.constant 0 : i32
      %dma_start3A_72 = arith.constant 0 : i32
      %dma_start3A_73 = arith.constant 0 : i32
      %dma_start3A_74 = tpu.memref_slice %run_scoped3A_8[%rem3A_68, %dma_start3A_71, %dma_start3A_72, %dma_start3A_73] : memref<2x1x1x128xf32, #tpu.memory_space<vmem>> -> memref<1x1x1x128xf32, #tpu.memory_space<vmem>>
      %dma_start3A_75 = tpu.memref_squeeze %dma_start3A_74 : memref<1x1x1x128xf32, #tpu.memory_space<vmem>> -> memref<1x1x128xf32, #tpu.memory_space<vmem>>
      %dma_start3A_76 = arith.constant 0 : i32
      %dma_start3A_77 = arith.constant 0 : i32
      %dma_start3A_78 = tpu.memref_slice %arg4[%mul3A_70, %dma_start3A_76, %dma_start3A_77] : memref<800x1x128xf32, #tpu.memory_space<hbm>> -> memref<1x1x128xf32, #tpu.memory_space<hbm>>
      %dma_start3A_79 = tpu.memref_slice %run_scoped3A_9[%rem3A_68] : memref<2x!tpu.dma_semaphore, #tpu.memory_space<semaphore_mem>> -> memref<1x!tpu.dma_semaphore, #tpu.memory_space<semaphore_mem>>
      %dma_start3A_80 = tpu.memref_squeeze %dma_start3A_79 : memref<1x!tpu.dma_semaphore, #tpu.memory_space<semaphore_mem>> -> memref<!tpu.dma_semaphore, #tpu.memory_space<semaphore_mem>>
      %dma_start3A_81 = arith.constant 0 : i32
      %dma_start3A_82 = arith.constant 0 : i32
      %dma_start3A_83 = arith.constant 0 : i32
      %dma_start3A_84 = tpu.memref_slice %run_scoped3A_8[%rem3A_68, %dma_start3A_81, %dma_start3A_82, %dma_start3A_83] : memref<2x1x1x128xf32, #tpu.memory_space<vmem>> -> memref<1x1x1x128xf32, #tpu.memory_space<vmem>>
      %dma_start3A_85 = tpu.memref_squeeze %dma_start3A_84 : memref<1x1x1x128xf32, #tpu.memory_space<vmem>> -> memref<1x1x128xf32, #tpu.memory_space<vmem>>
      %dma_start3A_86 = arith.constant 0 : i32
      %dma_start3A_87 = arith.constant 0 : i32
      %dma_start3A_88 = tpu.memref_slice %arg4[%mul3A_70, %dma_start3A_86, %dma_start3A_87] : memref<800x1x128xf32, #tpu.memory_space<hbm>> -> memref<1x1x128xf32, #tpu.memory_space<hbm>>
      tpu.enqueue_dma source(%dma_start3A_88 : memref<1x1x128xf32, #tpu.memory_space<hbm>>) target(%dma_start3A_85 : memref<1x1x128xf32, #tpu.memory_space<vmem>>) target_semaphore(%dma_start3A_80 : memref<!tpu.dma_semaphore, #tpu.memory_space<semaphore_mem>>)
      %add3A_89 = arith.constant 0 : i32
      %add3A_90 = arith.constant 1 : i32
      %add3A_91 = arith.addi %add3A_89, %add3A_90 : i32
      %select_n3A_92 = arith.constant true
      %select_n3A_93 = arith.constant 0 : i32
      %select_n3A_94 = arith.select %select_n3A_92, %add3A_91, %select_n3A_93 : i32
      "tpu.trace_stop"() : () -> ()
      %scan3A = arith.constant 0 : i32
      %scan3A_95 = arith.constant 0 : i32
      %scan3A_96 = arith.constant 0 : i32
      %scan3A_97 = arith.constant 0 : i32
      %scan3A_98 = arith.constant 0 : i32
      %scan3A_99 = arith.constant 0 : i32
      %scan3A_100 = arith.constant 25 : i32
      %scan3A_101 = arith.addi %scan3A_99, %scan3A_100 : i32
      %scan3A_102 = arith.constant 1 : i32
      %scan3A_103:7 = scf.for %scan3A_157 = %scan3A_99 to %scan3A_101 step %scan3A_102 iter_args(%scan3A_158 = %select_n3A_65, %scan3A_159 = %scan3A, %scan3A_160 = %select_n3A_94, %scan3A_161 = %scan3A_95, %scan3A_162 = %scan3A_96, %scan3A_163 = %scan3A_97, %scan3A_164 = %scan3A_98) -> (i32, i32, i32, i32, i32, i32, i32)  : i32 {
        %eq3A_165 = arith.constant 0 : i32
        %eq3A_166 = arith.cmpi eq, %scan3A_157, %eq3A_165 : i32
        %eq3A_167 = arith.constant 24 : i32
        %eq3A_168 = arith.cmpi eq, %scan3A_157, %eq3A_167 : i32
        %add3A_169 = arith.addi %scan3A_164, %mul3A_6 : i32
        %sub3A_170 = arith.constant 1 : i32
        %sub3A_171 = arith.subi %scan3A_164, %sub3A_170 : i32
        %select_n3A_172 = arith.constant true
        %select_n3A_173 = arith.select %select_n3A_172, %sub3A_171, %scan3A_164 : i32
        %eq3A_174 = arith.constant -1 : i32
        %eq3A_175 = arith.cmpi eq, %select_n3A_173, %eq3A_174 : i32
        %select_n3A_176 = arith.constant 24 : i32
        %select_n3A_177 = arith.select %eq3A_175, %select_n3A_176, %select_n3A_173 : i32
        %add3A_178 = arith.addi %select_n3A_177, %mul3A_6 : i32
        %add3A_179 = arith.constant 1 : i32
        %add3A_180 = arith.addi %scan3A_164, %add3A_179 : i32
        %select_n3A_181 = arith.constant true
        %select_n3A_182 = arith.select %select_n3A_181, %add3A_180, %scan3A_164 : i32
        %eq3A_183 = arith.constant 25 : i32
        %eq3A_184 = arith.cmpi eq, %select_n3A_182, %eq3A_183 : i32
        %select_n3A_185 = arith.constant 0 : i32
        %select_n3A_186 = arith.select %eq3A_184, %select_n3A_185, %select_n3A_182 : i32
        %add3A_187 = arith.addi %select_n3A_186, %mul3A_6 : i32
        %add3A_188 = arith.constant 1 : i32
        %add3A_189 = arith.addi %select_n3A_186, %add3A_188 : i32
        %select_n3A_190 = arith.constant true
        %select_n3A_191 = arith.select %select_n3A_190, %add3A_189, %select_n3A_186 : i32
        %eq3A_192 = arith.constant 25 : i32
        %eq3A_193 = arith.cmpi eq, %select_n3A_191, %eq3A_192 : i32
        %select_n3A_194 = arith.constant 0 : i32
        %select_n3A_195 = arith.select %eq3A_193, %select_n3A_194, %select_n3A_191 : i32
        %add3A_196 = arith.addi %select_n3A_195, %mul3A_6 : i32
        %ne3A = arith.cmpi ne, %add3A_169, %add3A_187 : i32
        %or3A = arith.constant false
        %or3A_197 = arith.ori %or3A, %ne3A : i1
        %or3A_198 = arith.constant false
        %or3A_199 = arith.ori %or3A_197, %or3A_198 : i1
        %or3A_200 = arith.constant false
        %or3A_201 = arith.ori %or3A_199, %or3A_200 : i1
        %ge3A = arith.constant 24 : i32
        %ge3A_202 = arith.cmpi sge, %scan3A_157, %ge3A : i32
        %not3A = arith.constant true
        %not3A_203 = arith.xori %ge3A_202, %not3A : i1
        %and3A = arith.andi %or3A_201, %not3A_203 : i1
        %convert_element_type3A = arith.extui %and3A : i1 to i32
        %cond3A = arith.constant 0 : i32
        %cond3A_204 = arith.cmpi ne, %convert_element_type3A, %cond3A : i32
        scf.if %cond3A_204 {
          "tpu.trace_start"() <{level = 10 : i32, message = "ep_copy_in"}> : () -> ()
          %rem3A_427 = arith.constant 2 : i32
          %rem3A_428 = arith.remui %scan3A_158, %rem3A_427 : i32
          %mul3A_429 = arith.constant 1 : i32
          %mul3A_430 = arith.muli %mul3A_429, %add3A_187 : i32
          %dma_start3A_431 = arith.constant 0 : i32
          %dma_start3A_432 = arith.constant 0 : i32
          %dma_start3A_433 = arith.constant 0 : i32
          %dma_start3A_434 = tpu.memref_slice %run_scoped3A[%rem3A_428, %dma_start3A_431, %dma_start3A_432, %dma_start3A_433] : memref<2x1x1x512xi32, #tpu.memory_space<vmem>> -> memref<1x1x1x512xi32, #tpu.memory_space<vmem>>
          %dma_start3A_435 = tpu.memref_squeeze %dma_start3A_434 : memref<1x1x1x512xi32, #tpu.memory_space<vmem>> -> memref<1x1x512xi32, #tpu.memory_space<vmem>>
          %dma_start3A_436 = arith.constant 0 : i32
          %dma_start3A_437 = arith.constant 0 : i32
          %dma_start3A_438 = tpu.memref_slice %arg3[%mul3A_430, %dma_start3A_436, %dma_start3A_437] : memref<800x1x512xi32, #tpu.memory_space<hbm>> -> memref<1x1x512xi32, #tpu.memory_space<hbm>>
          %dma_start3A_439 = tpu.memref_slice %run_scoped3A_7[%rem3A_428] : memref<2x!tpu.dma_semaphore, #tpu.memory_space<semaphore_mem>> -> memref<1x!tpu.dma_semaphore, #tpu.memory_space<semaphore_mem>>
          %dma_start3A_440 = tpu.memref_squeeze %dma_start3A_439 : memref<1x!tpu.dma_semaphore, #tpu.memory_space<semaphore_mem>> -> memref<!tpu.dma_semaphore, #tpu.memory_space<semaphore_mem>>
          %dma_start3A_441 = arith.constant 0 : i32
          %dma_start3A_442 = arith.constant 0 : i32
          %dma_start3A_443 = arith.constant 0 : i32
          %dma_start3A_444 = tpu.memref_slice %run_scoped3A[%rem3A_428, %dma_start3A_441, %dma_start3A_442, %dma_start3A_443] : memref<2x1x1x512xi32, #tpu.memory_space<vmem>> -> memref<1x1x1x512xi32, #tpu.memory_space<vmem>>
          %dma_start3A_445 = tpu.memref_squeeze %dma_start3A_444 : memref<1x1x1x512xi32, #tpu.memory_space<vmem>> -> memref<1x1x512xi32, #tpu.memory_space<vmem>>
          %dma_start3A_446 = arith.constant 0 : i32
          %dma_start3A_447 = arith.constant 0 : i32
          %dma_start3A_448 = tpu.memref_slice %arg3[%mul3A_430, %dma_start3A_446, %dma_start3A_447] : memref<800x1x512xi32, #tpu.memory_space<hbm>> -> memref<1x1x512xi32, #tpu.memory_space<hbm>>
          tpu.enqueue_dma source(%dma_start3A_448 : memref<1x1x512xi32, #tpu.memory_space<hbm>>) target(%dma_start3A_445 : memref<1x1x512xi32, #tpu.memory_space<vmem>>) target_semaphore(%dma_start3A_440 : memref<!tpu.dma_semaphore, #tpu.memory_space<semaphore_mem>>)
          "tpu.trace_stop"() : () -> ()
        } else {
        }
        %and3A_205 = arith.constant true
        %and3A_206 = arith.andi %and3A, %and3A_205 : i1
        %add3A_207 = arith.constant 1 : i32
        %add3A_208 = arith.addi %scan3A_158, %add3A_207 : i32
        %select_n3A_209 = arith.select %and3A_206, %add3A_208, %scan3A_158 : i32
        %ne3A_210 = arith.cmpi ne, %add3A_169, %add3A_187 : i32
        %or3A_211 = arith.constant false
        %or3A_212 = arith.ori %or3A_211, %ne3A_210 : i1
        %or3A_213 = arith.constant false
        %or3A_214 = arith.ori %or3A_212, %or3A_213 : i1
        %or3A_215 = arith.constant false
        %or3A_216 = arith.ori %or3A_214, %or3A_215 : i1
        %ge3A_217 = arith.constant 24 : i32
        %ge3A_218 = arith.cmpi sge, %scan3A_157, %ge3A_217 : i32
        %not3A_219 = arith.constant true
        %not3A_220 = arith.xori %ge3A_218, %not3A_219 : i1
        %and3A_221 = arith.andi %or3A_216, %not3A_220 : i1
        %convert_element_type3A_222 = arith.extui %and3A_221 : i1 to i32
        %cond3A_223 = arith.constant 0 : i32
        %cond3A_224 = arith.cmpi ne, %convert_element_type3A_222, %cond3A_223 : i32
        scf.if %cond3A_224 {
          "tpu.trace_start"() <{level = 10 : i32, message = "ep_copy_in"}> : () -> ()
          %rem3A_427 = arith.constant 2 : i32
          %rem3A_428 = arith.remui %scan3A_160, %rem3A_427 : i32
          %mul3A_429 = arith.constant 1 : i32
          %mul3A_430 = arith.muli %mul3A_429, %add3A_187 : i32
          %dma_start3A_431 = arith.constant 0 : i32
          %dma_start3A_432 = arith.constant 0 : i32
          %dma_start3A_433 = arith.constant 0 : i32
          %dma_start3A_434 = tpu.memref_slice %run_scoped3A_8[%rem3A_428, %dma_start3A_431, %dma_start3A_432, %dma_start3A_433] : memref<2x1x1x128xf32, #tpu.memory_space<vmem>> -> memref<1x1x1x128xf32, #tpu.memory_space<vmem>>
          %dma_start3A_435 = tpu.memref_squeeze %dma_start3A_434 : memref<1x1x1x128xf32, #tpu.memory_space<vmem>> -> memref<1x1x128xf32, #tpu.memory_space<vmem>>
          %dma_start3A_436 = arith.constant 0 : i32
          %dma_start3A_437 = arith.constant 0 : i32
          %dma_start3A_438 = tpu.memref_slice %arg4[%mul3A_430, %dma_start3A_436, %dma_start3A_437] : memref<800x1x128xf32, #tpu.memory_space<hbm>> -> memref<1x1x128xf32, #tpu.memory_space<hbm>>
          %dma_start3A_439 = tpu.memref_slice %run_scoped3A_9[%rem3A_428] : memref<2x!tpu.dma_semaphore, #tpu.memory_space<semaphore_mem>> -> memref<1x!tpu.dma_semaphore, #tpu.memory_space<semaphore_mem>>
          %dma_start3A_440 = tpu.memref_squeeze %dma_start3A_439 : memref<1x!tpu.dma_semaphore, #tpu.memory_space<semaphore_mem>> -> memref<!tpu.dma_semaphore, #tpu.memory_space<semaphore_mem>>
          %dma_start3A_441 = arith.constant 0 : i32
          %dma_start3A_442 = arith.constant 0 : i32
          %dma_start3A_443 = arith.constant 0 : i32
          %dma_start3A_444 = tpu.memref_slice %run_scoped3A_8[%rem3A_428, %dma_start3A_441, %dma_start3A_442, %dma_start3A_443] : memref<2x1x1x128xf32, #tpu.memory_space<vmem>> -> memref<1x1x1x128xf32, #tpu.memory_space<vmem>>
          %dma_start3A_445 = tpu.memref_squeeze %dma_start3A_444 : memref<1x1x1x128xf32, #tpu.memory_space<vmem>> -> memref<1x1x128xf32, #tpu.memory_space<vmem>>
          %dma_start3A_446 = arith.constant 0 : i32
          %dma_start3A_447 = arith.constant 0 : i32
          %dma_start3A_448 = tpu.memref_slice %arg4[%mul3A_430, %dma_start3A_446, %dma_start3A_447] : memref<800x1x128xf32, #tpu.memory_space<hbm>> -> memref<1x1x128xf32, #tpu.memory_space<hbm>>
          tpu.enqueue_dma source(%dma_start3A_448 : memref<1x1x128xf32, #tpu.memory_space<hbm>>) target(%dma_start3A_445 : memref<1x1x128xf32, #tpu.memory_space<vmem>>) target_semaphore(%dma_start3A_440 : memref<!tpu.dma_semaphore, #tpu.memory_space<semaphore_mem>>)
          "tpu.trace_stop"() : () -> ()
        } else {
        }
        %and3A_225 = arith.constant true
        %and3A_226 = arith.andi %and3A_221, %and3A_225 : i1
        %add3A_227 = arith.constant 1 : i32
        %add3A_228 = arith.addi %scan3A_160, %add3A_227 : i32
        %select_n3A_229 = arith.select %and3A_226, %add3A_228, %scan3A_160 : i32
        %ne3A_230 = arith.cmpi ne, %add3A_169, %add3A_187 : i32
        %or3A_231 = arith.constant false
        %or3A_232 = arith.ori %or3A_231, %ne3A_230 : i1
        %or3A_233 = arith.constant false
        %or3A_234 = arith.ori %or3A_232, %or3A_233 : i1
        %ge3A_235 = arith.constant 24 : i32
        %ge3A_236 = arith.cmpi sge, %scan3A_157, %ge3A_235 : i32
        %not3A_237 = arith.constant true
        %not3A_238 = arith.xori %ge3A_236, %not3A_237 : i1
        %and3A_239 = arith.andi %or3A_234, %not3A_238 : i1
        %ne3A_240 = arith.cmpi ne, %add3A_169, %add3A_178 : i32
        %or3A_241 = arith.constant false
        %or3A_242 = arith.ori %or3A_241, %ne3A_240 : i1
        %or3A_243 = arith.constant false
        %or3A_244 = arith.ori %or3A_242, %or3A_243 : i1
        %or3A_245 = arith.constant false
        %or3A_246 = arith.ori %or3A_244, %or3A_245 : i1
        %or3A_247 = arith.ori %or3A_246, %eq3A_166 : i1
        %convert_element_type3A_248 = arith.extui %or3A_247 : i1 to i32
        %cond3A_249 = arith.constant 0 : i32
        %cond3A_250 = arith.cmpi ne, %convert_element_type3A_248, %cond3A_249 : i32
        scf.if %cond3A_250 {
          "tpu.trace_start"() <{level = 10 : i32, message = "ep_wait_in"}> : () -> ()
          %mul3A_427 = arith.constant 1 : i32
          %mul3A_428 = arith.muli %mul3A_427, %add3A_169 : i32
          %rem3A_429 = arith.constant 2 : i32
          %rem3A_430 = arith.remui %scan3A_159, %rem3A_429 : i32
          %dma_wait3A_431 = arith.constant 0 : i32
          %dma_wait3A_432 = arith.constant 0 : i32
          %dma_wait3A_433 = arith.constant 0 : i32
          %dma_wait3A_434 = tpu.memref_slice %run_scoped3A[%rem3A_430, %dma_wait3A_431, %dma_wait3A_432, %dma_wait3A_433] : memref<2x1x1x512xi32, #tpu.memory_space<vmem>> -> memref<1x1x1x512xi32, #tpu.memory_space<vmem>>
          %dma_wait3A_435 = tpu.memref_squeeze %dma_wait3A_434 : memref<1x1x1x512xi32, #tpu.memory_space<vmem>> -> memref<1x1x512xi32, #tpu.memory_space<vmem>>
          %dma_wait3A_436 = arith.constant 0 : i32
          %dma_wait3A_437 = arith.constant 0 : i32
          %dma_wait3A_438 = tpu.memref_slice %arg3[%mul3A_428, %dma_wait3A_436, %dma_wait3A_437] : memref<800x1x512xi32, #tpu.memory_space<hbm>> -> memref<1x1x512xi32, #tpu.memory_space<hbm>>
          %dma_wait3A_439 = tpu.memref_slice %run_scoped3A_7[%rem3A_430] : memref<2x!tpu.dma_semaphore, #tpu.memory_space<semaphore_mem>> -> memref<1x!tpu.dma_semaphore, #tpu.memory_space<semaphore_mem>>
          %dma_wait3A_440 = tpu.memref_squeeze %dma_wait3A_439 : memref<1x!tpu.dma_semaphore, #tpu.memory_space<semaphore_mem>> -> memref<!tpu.dma_semaphore, #tpu.memory_space<semaphore_mem>>
          %dma_wait3A_441 = arith.constant 0 : i32
          %dma_wait3A_442 = arith.constant 0 : i32
          %dma_wait3A_443 = arith.constant 0 : i32
          %dma_wait3A_444 = tpu.memref_slice %run_scoped3A[%rem3A_430, %dma_wait3A_441, %dma_wait3A_442, %dma_wait3A_443] : memref<2x1x1x512xi32, #tpu.memory_space<vmem>> -> memref<1x1x1x512xi32, #tpu.memory_space<vmem>>
          %dma_wait3A_445 = tpu.memref_squeeze %dma_wait3A_444 : memref<1x1x1x512xi32, #tpu.memory_space<vmem>> -> memref<1x1x512xi32, #tpu.memory_space<vmem>>
          %dma_wait3A_446 = arith.constant 0 : i32
          %dma_wait3A_447 = arith.constant 0 : i32
          %dma_wait3A_448 = tpu.memref_slice %arg3[%mul3A_428, %dma_wait3A_446, %dma_wait3A_447] : memref<800x1x512xi32, #tpu.memory_space<hbm>> -> memref<1x1x512xi32, #tpu.memory_space<hbm>>
          tpu.wait_dma2 semaphore(%dma_wait3A_440 : memref<!tpu.dma_semaphore, #tpu.memory_space<semaphore_mem>>) src(%dma_wait3A_448 : memref<1x1x512xi32, #tpu.memory_space<hbm>>) dst(%dma_wait3A_445 : memref<1x1x512xi32, #tpu.memory_space<vmem>>)
          "tpu.trace_stop"() : () -> ()
        } else {
        }
        %ne3A_251 = arith.cmpi ne, %add3A_169, %add3A_178 : i32
        %or3A_252 = arith.constant false
        %or3A_253 = arith.ori %or3A_252, %ne3A_251 : i1
        %or3A_254 = arith.constant false
        %or3A_255 = arith.ori %or3A_253, %or3A_254 : i1
        %or3A_256 = arith.constant false
        %or3A_257 = arith.ori %or3A_255, %or3A_256 : i1
        %or3A_258 = arith.ori %or3A_257, %eq3A_166 : i1
        %convert_element_type3A_259 = arith.extui %or3A_258 : i1 to i32
        %cond3A_260 = arith.constant 0 : i32
        %cond3A_261 = arith.cmpi ne, %convert_element_type3A_259, %cond3A_260 : i32
        scf.if %cond3A_261 {
          "tpu.trace_start"() <{level = 10 : i32, message = "ep_wait_in"}> : () -> ()
          %mul3A_427 = arith.constant 1 : i32
          %mul3A_428 = arith.muli %mul3A_427, %add3A_169 : i32
          %rem3A_429 = arith.constant 2 : i32
          %rem3A_430 = arith.remui %scan3A_161, %rem3A_429 : i32
          %dma_wait3A_431 = arith.constant 0 : i32
          %dma_wait3A_432 = arith.constant 0 : i32
          %dma_wait3A_433 = arith.constant 0 : i32
          %dma_wait3A_434 = tpu.memref_slice %run_scoped3A_8[%rem3A_430, %dma_wait3A_431, %dma_wait3A_432, %dma_wait3A_433] : memref<2x1x1x128xf32, #tpu.memory_space<vmem>> -> memref<1x1x1x128xf32, #tpu.memory_space<vmem>>
          %dma_wait3A_435 = tpu.memref_squeeze %dma_wait3A_434 : memref<1x1x1x128xf32, #tpu.memory_space<vmem>> -> memref<1x1x128xf32, #tpu.memory_space<vmem>>
          %dma_wait3A_436 = arith.constant 0 : i32
          %dma_wait3A_437 = arith.constant 0 : i32
          %dma_wait3A_438 = tpu.memref_slice %arg4[%mul3A_428, %dma_wait3A_436, %dma_wait3A_437] : memref<800x1x128xf32, #tpu.memory_space<hbm>> -> memref<1x1x128xf32, #tpu.memory_space<hbm>>
          %dma_wait3A_439 = tpu.memref_slice %run_scoped3A_9[%rem3A_430] : memref<2x!tpu.dma_semaphore, #tpu.memory_space<semaphore_mem>> -> memref<1x!tpu.dma_semaphore, #tpu.memory_space<semaphore_mem>>
          %dma_wait3A_440 = tpu.memref_squeeze %dma_wait3A_439 : memref<1x!tpu.dma_semaphore, #tpu.memory_space<semaphore_mem>> -> memref<!tpu.dma_semaphore, #tpu.memory_space<semaphore_mem>>
          %dma_wait3A_441 = arith.constant 0 : i32
          %dma_wait3A_442 = arith.constant 0 : i32
          %dma_wait3A_443 = arith.constant 0 : i32
          %dma_wait3A_444 = tpu.memref_slice %run_scoped3A_8[%rem3A_430, %dma_wait3A_441, %dma_wait3A_442, %dma_wait3A_443] : memref<2x1x1x128xf32, #tpu.memory_space<vmem>> -> memref<1x1x1x128xf32, #tpu.memory_space<vmem>>
          %dma_wait3A_445 = tpu.memref_squeeze %dma_wait3A_444 : memref<1x1x1x128xf32, #tpu.memory_space<vmem>> -> memref<1x1x128xf32, #tpu.memory_space<vmem>>
          %dma_wait3A_446 = arith.constant 0 : i32
          %dma_wait3A_447 = arith.constant 0 : i32
          %dma_wait3A_448 = tpu.memref_slice %arg4[%mul3A_428, %dma_wait3A_446, %dma_wait3A_447] : memref<800x1x128xf32, #tpu.memory_space<hbm>> -> memref<1x1x128xf32, #tpu.memory_space<hbm>>
          tpu.wait_dma2 semaphore(%dma_wait3A_440 : memref<!tpu.dma_semaphore, #tpu.memory_space<semaphore_mem>>) src(%dma_wait3A_448 : memref<1x1x128xf32, #tpu.memory_space<hbm>>) dst(%dma_wait3A_445 : memref<1x1x128xf32, #tpu.memory_space<vmem>>)
          "tpu.trace_stop"() : () -> ()
        } else {
        }
        %ne3A_262 = arith.cmpi ne, %add3A_169, %add3A_178 : i32
        %or3A_263 = arith.constant false
        %or3A_264 = arith.ori %or3A_263, %ne3A_262 : i1
        %or3A_265 = arith.constant false
        %or3A_266 = arith.ori %or3A_264, %or3A_265 : i1
        %or3A_267 = arith.ori %or3A_266, %eq3A_166 : i1
        %convert_element_type3A_268 = arith.extui %or3A_267 : i1 to i32
        %cond3A_269 = arith.constant 0 : i32
        %cond3A_270 = arith.cmpi ne, %convert_element_type3A_268, %cond3A_269 : i32
        scf.if %cond3A_270 {
        } else {
        }
        %rem3A_271 = arith.constant 2 : i32
        %rem3A_272 = arith.remui %scan3A_159, %rem3A_271 : i32
        %rem3A_273 = arith.constant 2 : i32
        %rem3A_274 = arith.remui %scan3A_161, %rem3A_273 : i32
        %rem3A_275 = arith.constant 2 : i32
        %rem3A_276 = arith.remui %scan3A_162, %rem3A_275 : i32
        %dma_start3A_277 = arith.constant 0 : i32
        %dma_start3A_278 = arith.constant 0 : i32
        "tpu.trace_start"() <{level = 10 : i32, message = "ep_run_kernel"}> : () -> ()
        %dma_start3A_279 = arith.constant 0 : i32
        %dma_start3A_280 = arith.constant 0 : i32
        %dma_start3A_281 = arith.constant 0 : i32
        %dma_start3A_282 = tpu.memref_slice %run_scoped3A[%rem3A_272, %dma_start3A_279, %dma_start3A_280, %dma_start3A_281] : memref<2x1x1x512xi32, #tpu.memory_space<vmem>> -> memref<1x1x1x512xi32, #tpu.memory_space<vmem>>
        %dma_start3A_283 = tpu.memref_squeeze %dma_start3A_282 : memref<1x1x1x512xi32, #tpu.memory_space<vmem>> -> memref<1x1x512xi32, #tpu.memory_space<vmem>>
        %dma_start3A_284 = arith.constant 0 : i32
        %dma_start3A_285 = tpu.memref_slice %dma_start3A_283[%dma_start3A_277, %dma_start3A_278, %dma_start3A_284] : memref<1x1x512xi32, #tpu.memory_space<vmem>> -> memref<1x1x512xi32, #tpu.memory_space<vmem>>
        %dma_start3A_286 = tpu.memref_squeeze %dma_start3A_285 : memref<1x1x512xi32, #tpu.memory_space<vmem>> -> memref<512xi32, #tpu.memory_space<vmem>>
        %dma_start3A_287 = arith.constant 0 : i32
        %dma_start3A_288 = arith.constant 0 : i32
        %dma_start3A_289 = tpu.memref_slice %arg2[%dma_start3A_287, %dma_start3A_288] : memref<204800x64xf32, #tpu.memory_space<hbm>> -> memref<204800x64xf32, #tpu.memory_space<hbm>>
        tpu.enqueue_indirect_dma source(%dma_start3A_289 : memref<204800x64xf32, #tpu.memory_space<hbm>>) target(%arg6 : memref<512x64xf32, #tpu.memory_space<vmem>>) offsets(%dma_start3A_286 : memref<512xi32, #tpu.memory_space<vmem>>) semaphore(%arg7 : memref<!tpu.dma_semaphore, #tpu.memory_space<semaphore_mem>>)
        %dma_wait3A_290 = arith.constant 0 : i32
        %dma_wait3A_291 = arith.constant 0 : i32
        %dma_wait3A_292 = arith.constant 0 : i32
        %dma_wait3A_293 = arith.constant 0 : i32
        %dma_wait3A_294 = arith.constant 0 : i32
        %dma_wait3A_295 = tpu.memref_slice %run_scoped3A[%rem3A_272, %dma_wait3A_292, %dma_wait3A_293, %dma_wait3A_294] : memref<2x1x1x512xi32, #tpu.memory_space<vmem>> -> memref<1x1x1x512xi32, #tpu.memory_space<vmem>>
        %dma_wait3A_296 = tpu.memref_squeeze %dma_wait3A_295 : memref<1x1x1x512xi32, #tpu.memory_space<vmem>> -> memref<1x1x512xi32, #tpu.memory_space<vmem>>
        %dma_wait3A_297 = arith.constant 0 : i32
        %dma_wait3A_298 = tpu.memref_slice %dma_wait3A_296[%dma_wait3A_290, %dma_wait3A_291, %dma_wait3A_297] : memref<1x1x512xi32, #tpu.memory_space<vmem>> -> memref<1x1x512xi32, #tpu.memory_space<vmem>>
        %dma_wait3A_299 = tpu.memref_squeeze %dma_wait3A_298 : memref<1x1x512xi32, #tpu.memory_space<vmem>> -> memref<512xi32, #tpu.memory_space<vmem>>
        %dma_wait3A_300 = arith.constant 0 : i32
        %dma_wait3A_301 = arith.constant 0 : i32
        %dma_wait3A_302 = tpu.memref_slice %arg2[%dma_wait3A_300, %dma_wait3A_301] : memref<204800x64xf32, #tpu.memory_space<hbm>> -> memref<204800x64xf32, #tpu.memory_space<hbm>>
        tpu.wait_indirect_dma semaphore(%arg7 : memref<!tpu.dma_semaphore, #tpu.memory_space<semaphore_mem>>) src(%dma_wait3A_302 : memref<204800x64xf32, #tpu.memory_space<hbm>>) dst(%arg6 : memref<512x64xf32, #tpu.memory_space<vmem>>)
        %iota3A = tpu.iota {dimensions = array<i32: 0>} : vector<16xi32>
        %mul3A_303 = arith.constant 0 : i32
        %mul3A_304 = vector.broadcast %mul3A_303 : i32 to vector<16xi32>
        %mul3A_305 = arith.muli %iota3A, %mul3A_304 : vector<16xi32>
        %scan3A_306 = arith.constant 0 : i32
        %scan3A_307 = arith.constant 125 : i32
        %scan3A_308 = arith.addi %scan3A_306, %scan3A_307 : i32
        %scan3A_309 = arith.constant 1 : i32
        scf.for %scan3A_427 = %scan3A_306 to %scan3A_308 step %scan3A_309  : i32 {
          %mul3A_428 = arith.constant 1 : i32
          %mul3A_429 = arith.muli %scan3A_427, %mul3A_428 : i32
          %add3A_430 = arith.constant 0 : i32
          %add3A_431 = arith.addi %add3A_430, %mul3A_429 : i32
          %add3A_432 = vector.broadcast %add3A_431 : i32 to vector<16xi32>
          %add3A_433 = arith.addi %mul3A_305, %add3A_432 : vector<16xi32>
          %gather3A = arith.constant 0 : i32
          %gather3A_434 = arith.constant 0 : i32
          %gather3A_435 = arith.constant 0 : i32
          %gather3A_436 = tpu.memref_slice %run_scoped3A_8[%rem3A_274, %gather3A, %gather3A_434, %gather3A_435] : memref<2x1x1x128xf32, #tpu.memory_space<vmem>> -> memref<1x1x1x128xf32, #tpu.memory_space<vmem>>
          %gather3A_437 = tpu.memref_squeeze %gather3A_436 : memref<1x1x1x128xf32, #tpu.memory_space<vmem>> -> memref<1x1x128xf32, #tpu.memory_space<vmem>>
          %gather3A_438 = tpu.vector_load_idx %gather3A_437[%mul3A_305, %mul3A_305, %add3A_433] : memref<1x1x128xf32, #tpu.memory_space<vmem>>[vector<16xi32>, vector<16xi32>, vector<16xi32>], vector<16xf32>,
          %get3A = arith.index_cast %add3A_431 : i32 to index
          %get3A_439 = arith.constant 0 : index
          %get3A_440 = tpu.vector_load %arg6[%get3A, %get3A_439] {strides = array<i32>} : memref<512x64xf32, #tpu.memory_space<vmem>>, vector<16xf32>,
          %add3A_441 = arith.constant 128 : i32
          %add3A_442 = arith.addi %add3A_441, %add3A_431 : i32
          %get3A_443 = arith.index_cast %add3A_442 : i32 to index
          %get3A_444 = arith.constant 0 : index
          %get3A_445 = tpu.vector_load %arg6[%get3A_443, %get3A_444] {strides = array<i32>} : memref<512x64xf32, #tpu.memory_space<vmem>>, vector<16xf32>,
          %add3A_446 = arith.addf %get3A_440, %get3A_445 : vector<16xf32>
          %add3A_447 = arith.constant 256 : i32
          %add3A_448 = arith.addi %add3A_447, %add3A_431 : i32
          %get3A_449 = arith.index_cast %add3A_448 : i32 to index
          %get3A_450 = arith.constant 0 : index
          %get3A_451 = tpu.vector_load %arg6[%get3A_449, %get3A_450] {strides = array<i32>} : memref<512x64xf32, #tpu.memory_space<vmem>>, vector<16xf32>,
          %add3A_452 = arith.constant 384 : i32
          %add3A_453 = arith.addi %add3A_452, %add3A_431 : i32
          %get3A_454 = arith.index_cast %add3A_453 : i32 to index
          %get3A_455 = arith.constant 0 : index
          %get3A_456 = tpu.vector_load %arg6[%get3A_454, %get3A_455] {strides = array<i32>} : memref<512x64xf32, #tpu.memory_space<vmem>>, vector<16xf32>,
          %add3A_457 = arith.addf %get3A_451, %get3A_456 : vector<16xf32>
          %add3A_458 = arith.addf %add3A_446, %add3A_457 : vector<16xf32>
          %mul3A_459 = arith.mulf %add3A_458, %gather3A_438 : vector<16xf32>
          %swap3A = arith.constant 0 : i32
          %swap3A_460 = arith.constant 0 : i32
          %swap3A_461 = tpu.memref_slice %run_scoped3A_10[%rem3A_276, %swap3A, %swap3A_460] : memref<2x125x64xf32, #tpu.memory_space<vmem>> -> memref<1x125x64xf32, #tpu.memory_space<vmem>>
          %swap3A_462 = tpu.memref_squeeze %swap3A_461 : memref<1x125x64xf32, #tpu.memory_space<vmem>> -> memref<125x64xf32, #tpu.memory_space<vmem>>
          %swap3A_463 = arith.index_cast %add3A_431 : i32 to index
          %swap3A_464 = arith.constant 0 : index
          %swap3A_465 = tpu.vector_load %swap3A_462[%swap3A_463, %swap3A_464] {strides = array<i32>} : memref<125x64xf32, #tpu.memory_space<vmem>>, vector<16xf32>,
          tpu.vector_store %swap3A_462[%swap3A_463, %swap3A_464], %mul3A_459 {strides = array<i32>} : memref<125x64xf32, #tpu.memory_space<vmem>>, vector<16xf32>,
          %get3A_466 = arith.index_cast %add3A_431 : i32 to index
          %get3A_467 = arith.constant 16 : index
          %get3A_468 = tpu.vector_load %arg6[%get3A_466, %get3A_467] {strides = array<i32>} : memref<512x64xf32, #tpu.memory_space<vmem>>, vector<16xf32>,
          %add3A_469 = arith.constant 128 : i32
          %add3A_470 = arith.addi %add3A_469, %add3A_431 : i32
          %get3A_471 = arith.index_cast %add3A_470 : i32 to index
          %get3A_472 = arith.constant 16 : index
          %get3A_473 = tpu.vector_load %arg6[%get3A_471, %get3A_472] {strides = array<i32>} : memref<512x64xf32, #tpu.memory_space<vmem>>, vector<16xf32>,
          %add3A_474 = arith.addf %get3A_468, %get3A_473 : vector<16xf32>
          %add3A_475 = arith.constant 256 : i32
          %add3A_476 = arith.addi %add3A_475, %add3A_431 : i32
          %get3A_477 = arith.index_cast %add3A_476 : i32 to index
          %get3A_478 = arith.constant 16 : index
          %get3A_479 = tpu.vector_load %arg6[%get3A_477, %get3A_478] {strides = array<i32>} : memref<512x64xf32, #tpu.memory_space<vmem>>, vector<16xf32>,
          %add3A_480 = arith.constant 384 : i32
          %add3A_481 = arith.addi %add3A_480, %add3A_431 : i32
          %get3A_482 = arith.index_cast %add3A_481 : i32 to index
          %get3A_483 = arith.constant 16 : index
          %get3A_484 = tpu.vector_load %arg6[%get3A_482, %get3A_483] {strides = array<i32>} : memref<512x64xf32, #tpu.memory_space<vmem>>, vector<16xf32>,
          %add3A_485 = arith.addf %get3A_479, %get3A_484 : vector<16xf32>
          %add3A_486 = arith.addf %add3A_474, %add3A_485 : vector<16xf32>
          %mul3A_487 = arith.mulf %add3A_486, %gather3A_438 : vector<16xf32>
          %swap3A_488 = arith.constant 0 : i32
          %swap3A_489 = arith.constant 0 : i32
          %swap3A_490 = tpu.memref_slice %run_scoped3A_10[%rem3A_276, %swap3A_488, %swap3A_489] : memref<2x125x64xf32, #tpu.memory_space<vmem>> -> memref<1x125x64xf32, #tpu.memory_space<vmem>>
          %swap3A_491 = tpu.memref_squeeze %swap3A_490 : memref<1x125x64xf32, #tpu.memory_space<vmem>> -> memref<125x64xf32, #tpu.memory_space<vmem>>
          %swap3A_492 = arith.index_cast %add3A_431 : i32 to index
          %swap3A_493 = arith.constant 16 : index
          %swap3A_494 = tpu.vector_load %swap3A_491[%swap3A_492, %swap3A_493] {strides = array<i32>} : memref<125x64xf32, #tpu.memory_space<vmem>>, vector<16xf32>,
          tpu.vector_store %swap3A_491[%swap3A_492, %swap3A_493], %mul3A_487 {strides = array<i32>} : memref<125x64xf32, #tpu.memory_space<vmem>>, vector<16xf32>,
          %get3A_495 = arith.index_cast %add3A_431 : i32 to index
          %get3A_496 = arith.constant 32 : index
          %get3A_497 = tpu.vector_load %arg6[%get3A_495, %get3A_496] {strides = array<i32>} : memref<512x64xf32, #tpu.memory_space<vmem>>, vector<16xf32>,
          %add3A_498 = arith.constant 128 : i32
          %add3A_499 = arith.addi %add3A_498, %add3A_431 : i32
          %get3A_500 = arith.index_cast %add3A_499 : i32 to index
          %get3A_501 = arith.constant 32 : index
          %get3A_502 = tpu.vector_load %arg6[%get3A_500, %get3A_501] {strides = array<i32>} : memref<512x64xf32, #tpu.memory_space<vmem>>, vector<16xf32>,
          %add3A_503 = arith.addf %get3A_497, %get3A_502 : vector<16xf32>
          %add3A_504 = arith.constant 256 : i32
          %add3A_505 = arith.addi %add3A_504, %add3A_431 : i32
          %get3A_506 = arith.index_cast %add3A_505 : i32 to index
          %get3A_507 = arith.constant 32 : index
          %get3A_508 = tpu.vector_load %arg6[%get3A_506, %get3A_507] {strides = array<i32>} : memref<512x64xf32, #tpu.memory_space<vmem>>, vector<16xf32>,
          %add3A_509 = arith.constant 384 : i32
          %add3A_510 = arith.addi %add3A_509, %add3A_431 : i32
          %get3A_511 = arith.index_cast %add3A_510 : i32 to index
          %get3A_512 = arith.constant 32 : index
          %get3A_513 = tpu.vector_load %arg6[%get3A_511, %get3A_512] {strides = array<i32>} : memref<512x64xf32, #tpu.memory_space<vmem>>, vector<16xf32>,
          %add3A_514 = arith.addf %get3A_508, %get3A_513 : vector<16xf32>
          %add3A_515 = arith.addf %add3A_503, %add3A_514 : vector<16xf32>
          %mul3A_516 = arith.mulf %add3A_515, %gather3A_438 : vector<16xf32>
          %swap3A_517 = arith.constant 0 : i32
          %swap3A_518 = arith.constant 0 : i32
          %swap3A_519 = tpu.memref_slice %run_scoped3A_10[%rem3A_276, %swap3A_517, %swap3A_518] : memref<2x125x64xf32, #tpu.memory_space<vmem>> -> memref<1x125x64xf32, #tpu.memory_space<vmem>>
          %swap3A_520 = tpu.memref_squeeze %swap3A_519 : memref<1x125x64xf32, #tpu.memory_space<vmem>> -> memref<125x64xf32, #tpu.memory_space<vmem>>
          %swap3A_521 = arith.index_cast %add3A_431 : i32 to index
          %swap3A_522 = arith.constant 32 : index
          %swap3A_523 = tpu.vector_load %swap3A_520[%swap3A_521, %swap3A_522] {strides = array<i32>} : memref<125x64xf32, #tpu.memory_space<vmem>>, vector<16xf32>,
          tpu.vector_store %swap3A_520[%swap3A_521, %swap3A_522], %mul3A_516 {strides = array<i32>} : memref<125x64xf32, #tpu.memory_space<vmem>>, vector<16xf32>,
          %get3A_524 = arith.index_cast %add3A_431 : i32 to index
          %get3A_525 = arith.constant 48 : index
          %get3A_526 = tpu.vector_load %arg6[%get3A_524, %get3A_525] {strides = array<i32>} : memref<512x64xf32, #tpu.memory_space<vmem>>, vector<16xf32>,
          %add3A_527 = arith.constant 128 : i32
          %add3A_528 = arith.addi %add3A_527, %add3A_431 : i32
          %get3A_529 = arith.index_cast %add3A_528 : i32 to index
          %get3A_530 = arith.constant 48 : index
          %get3A_531 = tpu.vector_load %arg6[%get3A_529, %get3A_530] {strides = array<i32>} : memref<512x64xf32, #tpu.memory_space<vmem>>, vector<16xf32>,
          %add3A_532 = arith.addf %get3A_526, %get3A_531 : vector<16xf32>
          %add3A_533 = arith.constant 256 : i32
          %add3A_534 = arith.addi %add3A_533, %add3A_431 : i32
          %get3A_535 = arith.index_cast %add3A_534 : i32 to index
          %get3A_536 = arith.constant 48 : index
          %get3A_537 = tpu.vector_load %arg6[%get3A_535, %get3A_536] {strides = array<i32>} : memref<512x64xf32, #tpu.memory_space<vmem>>, vector<16xf32>,
          %add3A_538 = arith.constant 384 : i32
          %add3A_539 = arith.addi %add3A_538, %add3A_431 : i32
          %get3A_540 = arith.index_cast %add3A_539 : i32 to index
          %get3A_541 = arith.constant 48 : index
          %get3A_542 = tpu.vector_load %arg6[%get3A_540, %get3A_541] {strides = array<i32>} : memref<512x64xf32, #tpu.memory_space<vmem>>, vector<16xf32>,
          %add3A_543 = arith.addf %get3A_537, %get3A_542 : vector<16xf32>
          %add3A_544 = arith.addf %add3A_532, %add3A_543 : vector<16xf32>
          %mul3A_545 = arith.mulf %add3A_544, %gather3A_438 : vector<16xf32>
          %swap3A_546 = arith.constant 0 : i32
          %swap3A_547 = arith.constant 0 : i32
          %swap3A_548 = tpu.memref_slice %run_scoped3A_10[%rem3A_276, %swap3A_546, %swap3A_547] : memref<2x125x64xf32, #tpu.memory_space<vmem>> -> memref<1x125x64xf32, #tpu.memory_space<vmem>>
          %swap3A_549 = tpu.memref_squeeze %swap3A_548 : memref<1x125x64xf32, #tpu.memory_space<vmem>> -> memref<125x64xf32, #tpu.memory_space<vmem>>
          %swap3A_550 = arith.index_cast %add3A_431 : i32 to index
          %swap3A_551 = arith.constant 48 : index
          %swap3A_552 = tpu.vector_load %swap3A_549[%swap3A_550, %swap3A_551] {strides = array<i32>} : memref<125x64xf32, #tpu.memory_space<vmem>>, vector<16xf32>,
          tpu.vector_store %swap3A_549[%swap3A_550, %swap3A_551], %mul3A_545 {strides = array<i32>} : memref<125x64xf32, #tpu.memory_space<vmem>>, vector<16xf32>,
        }
        %scan3A_310 = arith.constant 125 : i32
        "tpu.trace_stop"() : () -> ()
        %ne3A_311 = arith.cmpi ne, %add3A_169, %add3A_187 : i32
        %or3A_312 = arith.constant false
        %or3A_313 = arith.ori %or3A_312, %ne3A_311 : i1
        %or3A_314 = arith.constant false
        %or3A_315 = arith.ori %or3A_313, %or3A_314 : i1
        %or3A_316 = arith.constant false
        %or3A_317 = arith.ori %or3A_315, %or3A_316 : i1
        %or3A_318 = arith.ori %or3A_317, %eq3A_168 : i1
        %convert_element_type3A_319 = arith.extui %or3A_318 : i1 to i32
        %cond3A_320 = arith.constant 0 : i32
        %cond3A_321 = arith.cmpi ne, %convert_element_type3A_319, %cond3A_320 : i32
        scf.if %cond3A_321 {
        } else {
        }
        %and3A_322 = arith.constant false
        %and3A_323 = arith.andi %or3A_318, %and3A_322 : i1
        %ne3A_324 = arith.cmpi ne, %add3A_169, %add3A_187 : i32
        %or3A_325 = arith.constant false
        %or3A_326 = arith.ori %or3A_325, %ne3A_324 : i1
        %or3A_327 = arith.constant false
        %or3A_328 = arith.ori %or3A_326, %or3A_327 : i1
        %or3A_329 = arith.constant false
        %or3A_330 = arith.ori %or3A_328, %or3A_329 : i1
        %or3A_331 = arith.ori %or3A_330, %eq3A_168 : i1
        %convert_element_type3A_332 = arith.extui %or3A_331 : i1 to i32
        %cond3A_333 = arith.constant 0 : i32
        %cond3A_334 = arith.cmpi ne, %convert_element_type3A_332, %cond3A_333 : i32
        scf.if %cond3A_334 {
        } else {
        }
        %and3A_335 = arith.constant false
        %and3A_336 = arith.andi %or3A_331, %and3A_335 : i1
        %ne3A_337 = arith.cmpi ne, %add3A_169, %add3A_187 : i32
        %or3A_338 = arith.constant false
        %or3A_339 = arith.ori %or3A_338, %ne3A_337 : i1
        %or3A_340 = arith.constant false
        %or3A_341 = arith.ori %or3A_339, %or3A_340 : i1
        %or3A_342 = arith.ori %or3A_341, %eq3A_168 : i1
        %convert_element_type3A_343 = arith.extui %or3A_342 : i1 to i32
        %cond3A_344 = arith.constant 0 : i32
        %cond3A_345 = arith.cmpi ne, %convert_element_type3A_343, %cond3A_344 : i32
        scf.if %cond3A_345 {
          "tpu.trace_start"() <{level = 10 : i32, message = "ep_copy_out"}> : () -> ()
          %rem3A_427 = arith.constant 2 : i32
          %rem3A_428 = arith.remui %scan3A_162, %rem3A_427 : i32
          %mul3A_429 = arith.constant 125 : i32
          %mul3A_430 = arith.muli %mul3A_429, %add3A_169 : i32
          %dma_start3A_431 = arith.constant 0 : i32
          %dma_start3A_432 = arith.constant 0 : i32
          %dma_start3A_433 = tpu.memref_slice %run_scoped3A_10[%rem3A_428, %dma_start3A_431, %dma_start3A_432] : memref<2x125x64xf32, #tpu.memory_space<vmem>> -> memref<1x125x64xf32, #tpu.memory_space<vmem>>
          %dma_start3A_434 = tpu.memref_squeeze %dma_start3A_433 : memref<1x125x64xf32, #tpu.memory_space<vmem>> -> memref<125x64xf32, #tpu.memory_space<vmem>>
          %dma_start3A_435 = arith.constant 0 : i32
          %dma_start3A_436 = tpu.memref_slice %arg5[%mul3A_430, %dma_start3A_435] : memref<100000x64xf32, #tpu.memory_space<hbm>> -> memref<125x64xf32, #tpu.memory_space<hbm>>
          %dma_start3A_437 = tpu.memref_slice %run_scoped3A_11[%rem3A_428] : memref<2x!tpu.dma_semaphore, #tpu.memory_space<semaphore_mem>> -> memref<1x!tpu.dma_semaphore, #tpu.memory_space<semaphore_mem>>
          %dma_start3A_438 = tpu.memref_squeeze %dma_start3A_437 : memref<1x!tpu.dma_semaphore, #tpu.memory_space<semaphore_mem>> -> memref<!tpu.dma_semaphore, #tpu.memory_space<semaphore_mem>>
          %dma_start3A_439 = arith.constant 0 : i32
          %dma_start3A_440 = tpu.memref_slice %arg5[%mul3A_430, %dma_start3A_439] : memref<100000x64xf32, #tpu.memory_space<hbm>> -> memref<125x64xf32, #tpu.memory_space<hbm>>
          %dma_start3A_441 = arith.constant 0 : i32
          %dma_start3A_442 = arith.constant 0 : i32
          %dma_start3A_443 = tpu.memref_slice %run_scoped3A_10[%rem3A_428, %dma_start3A_441, %dma_start3A_442] : memref<2x125x64xf32, #tpu.memory_space<vmem>> -> memref<1x125x64xf32, #tpu.memory_space<vmem>>
          %dma_start3A_444 = tpu.memref_squeeze %dma_start3A_443 : memref<1x125x64xf32, #tpu.memory_space<vmem>> -> memref<125x64xf32, #tpu.memory_space<vmem>>
          tpu.enqueue_dma source(%dma_start3A_444 : memref<125x64xf32, #tpu.memory_space<vmem>>) target(%dma_start3A_440 : memref<125x64xf32, #tpu.memory_space<hbm>>) target_semaphore(%dma_start3A_438 : memref<!tpu.dma_semaphore, #tpu.memory_space<semaphore_mem>>)
          "tpu.trace_stop"() : () -> ()
        } else {
        }
        %and3A_346 = arith.constant true
        %and3A_347 = arith.andi %or3A_342, %and3A_346 : i1
        %add3A_348 = arith.constant 1 : i32
        %add3A_349 = arith.addi %scan3A_162, %add3A_348 : i32
        %select_n3A_350 = arith.select %and3A_347, %add3A_349, %scan3A_162 : i32
        %ne3A_351 = arith.cmpi ne, %add3A_169, %add3A_178 : i32
        %or3A_352 = arith.constant false
        %or3A_353 = arith.ori %or3A_352, %ne3A_351 : i1
        %or3A_354 = arith.constant false
        %or3A_355 = arith.ori %or3A_353, %or3A_354 : i1
        %or3A_356 = arith.constant false
        %or3A_357 = arith.ori %or3A_355, %or3A_356 : i1
        %not3A_358 = arith.constant true
        %not3A_359 = arith.xori %eq3A_166, %not3A_358 : i1
        %and3A_360 = arith.andi %or3A_357, %not3A_359 : i1
        %convert_element_type3A_361 = arith.extui %and3A_360 : i1 to i32
        %cond3A_362 = arith.constant 0 : i32
        %cond3A_363 = arith.cmpi ne, %convert_element_type3A_361, %cond3A_362 : i32
        scf.if %cond3A_363 {
        } else {
        }
        %and3A_364 = arith.constant false
        %and3A_365 = arith.andi %and3A_360, %and3A_364 : i1
        %ne3A_366 = arith.cmpi ne, %add3A_169, %add3A_178 : i32
        %or3A_367 = arith.constant false
        %or3A_368 = arith.ori %or3A_367, %ne3A_366 : i1
        %or3A_369 = arith.constant false
        %or3A_370 = arith.ori %or3A_368, %or3A_369 : i1
        %or3A_371 = arith.constant false
        %or3A_372 = arith.ori %or3A_370, %or3A_371 : i1
        %not3A_373 = arith.constant true
        %not3A_374 = arith.xori %eq3A_166, %not3A_373 : i1
        %and3A_375 = arith.andi %or3A_372, %not3A_374 : i1
        %convert_element_type3A_376 = arith.extui %and3A_375 : i1 to i32
        %cond3A_377 = arith.constant 0 : i32
        %cond3A_378 = arith.cmpi ne, %convert_element_type3A_376, %cond3A_377 : i32
        scf.if %cond3A_378 {
        } else {
        }
        %and3A_379 = arith.constant false
        %and3A_380 = arith.andi %and3A_375, %and3A_379 : i1
        %ne3A_381 = arith.cmpi ne, %add3A_169, %add3A_178 : i32
        %or3A_382 = arith.constant false
        %or3A_383 = arith.ori %or3A_382, %ne3A_381 : i1
        %or3A_384 = arith.constant false
        %or3A_385 = arith.ori %or3A_383, %or3A_384 : i1
        %not3A_386 = arith.constant true
        %not3A_387 = arith.xori %eq3A_166, %not3A_386 : i1
        %and3A_388 = arith.andi %or3A_385, %not3A_387 : i1
        %convert_element_type3A_389 = arith.extui %and3A_388 : i1 to i32
        %cond3A_390 = arith.constant 0 : i32
        %cond3A_391 = arith.cmpi ne, %convert_element_type3A_389, %cond3A_390 : i32
        scf.if %cond3A_391 {
          "tpu.trace_start"() <{level = 10 : i32, message = "ep_wait_out"}> : () -> ()
          %rem3A_427 = arith.constant 2 : i32
          %rem3A_428 = arith.remui %scan3A_163, %rem3A_427 : i32
          %mul3A_429 = arith.constant 125 : i32
          %mul3A_430 = arith.muli %mul3A_429, %add3A_178 : i32
          %dma_wait3A_431 = arith.constant 0 : i32
          %dma_wait3A_432 = arith.constant 0 : i32
          %dma_wait3A_433 = tpu.memref_slice %run_scoped3A_10[%rem3A_428, %dma_wait3A_431, %dma_wait3A_432] : memref<2x125x64xf32, #tpu.memory_space<vmem>> -> memref<1x125x64xf32, #tpu.memory_space<vmem>>
          %dma_wait3A_434 = tpu.memref_squeeze %dma_wait3A_433 : memref<1x125x64xf32, #tpu.memory_space<vmem>> -> memref<125x64xf32, #tpu.memory_space<vmem>>
          %dma_wait3A_435 = arith.constant 0 : i32
          %dma_wait3A_436 = tpu.memref_slice %arg5[%mul3A_430, %dma_wait3A_435] : memref<100000x64xf32, #tpu.memory_space<hbm>> -> memref<125x64xf32, #tpu.memory_space<hbm>>
          %dma_wait3A_437 = tpu.memref_slice %run_scoped3A_11[%rem3A_428] : memref<2x!tpu.dma_semaphore, #tpu.memory_space<semaphore_mem>> -> memref<1x!tpu.dma_semaphore, #tpu.memory_space<semaphore_mem>>
          %dma_wait3A_438 = tpu.memref_squeeze %dma_wait3A_437 : memref<1x!tpu.dma_semaphore, #tpu.memory_space<semaphore_mem>> -> memref<!tpu.dma_semaphore, #tpu.memory_space<semaphore_mem>>
          %dma_wait3A_439 = arith.constant 0 : i32
          %dma_wait3A_440 = tpu.memref_slice %arg5[%mul3A_430, %dma_wait3A_439] : memref<100000x64xf32, #tpu.memory_space<hbm>> -> memref<125x64xf32, #tpu.memory_space<hbm>>
          %dma_wait3A_441 = arith.constant 0 : i32
          %dma_wait3A_442 = arith.constant 0 : i32
          %dma_wait3A_443 = tpu.memref_slice %run_scoped3A_10[%rem3A_428, %dma_wait3A_441, %dma_wait3A_442] : memref<2x125x64xf32, #tpu.memory_space<vmem>> -> memref<1x125x64xf32, #tpu.memory_space<vmem>>
          %dma_wait3A_444 = tpu.memref_squeeze %dma_wait3A_443 : memref<1x125x64xf32, #tpu.memory_space<vmem>> -> memref<125x64xf32, #tpu.memory_space<vmem>>
          tpu.wait_dma2 semaphore(%dma_wait3A_438 : memref<!tpu.dma_semaphore, #tpu.memory_space<semaphore_mem>>) src(%dma_wait3A_444 : memref<125x64xf32, #tpu.memory_space<vmem>>) dst(%dma_wait3A_440 : memref<125x64xf32, #tpu.memory_space<hbm>>)
          "tpu.trace_stop"() : () -> ()
        } else {
        }
        %and3A_392 = arith.constant true
        %and3A_393 = arith.andi %and3A_388, %and3A_392 : i1
        %add3A_394 = arith.constant 1 : i32
        %add3A_395 = arith.addi %scan3A_163, %add3A_394 : i32
        %select_n3A_396 = arith.select %and3A_393, %add3A_395, %scan3A_163 : i32
        %ne3A_397 = arith.cmpi ne, %add3A_169, %add3A_187 : i32
        %or3A_398 = arith.constant false
        %or3A_399 = arith.ori %or3A_398, %ne3A_397 : i1
        %or3A_400 = arith.constant false
        %or3A_401 = arith.ori %or3A_399, %or3A_400 : i1
        %or3A_402 = arith.constant false
        %or3A_403 = arith.ori %or3A_401, %or3A_402 : i1
        %or3A_404 = arith.ori %or3A_403, %eq3A_168 : i1
        %add3A_405 = arith.constant 1 : i32
        %add3A_406 = arith.addi %scan3A_159, %add3A_405 : i32
        %select_n3A_407 = arith.select %or3A_404, %add3A_406, %scan3A_159 : i32
        %ne3A_408 = arith.cmpi ne, %add3A_169, %add3A_187 : i32
        %or3A_409 = arith.constant false
        %or3A_410 = arith.ori %or3A_409, %ne3A_408 : i1
        %or3A_411 = arith.constant false
        %or3A_412 = arith.ori %or3A_410, %or3A_411 : i1
        %or3A_413 = arith.constant false
        %or3A_414 = arith.ori %or3A_412, %or3A_413 : i1
        %or3A_415 = arith.ori %or3A_414, %eq3A_168 : i1
        %add3A_416 = arith.constant 1 : i32
        %add3A_417 = arith.addi %scan3A_161, %add3A_416 : i32
        %select_n3A_418 = arith.select %or3A_415, %add3A_417, %scan3A_161 : i32
        %add3A_419 = arith.constant 1 : i32
        %add3A_420 = arith.addi %scan3A_164, %add3A_419 : i32
        %select_n3A_421 = arith.constant true
        %select_n3A_422 = arith.select %select_n3A_421, %add3A_420, %scan3A_164 : i32
        %eq3A_423 = arith.constant 25 : i32
        %eq3A_424 = arith.cmpi eq, %select_n3A_422, %eq3A_423 : i32
        %select_n3A_425 = arith.constant 0 : i32
        %select_n3A_426 = arith.select %eq3A_424, %select_n3A_425, %select_n3A_422 : i32
        scf.yield %select_n3A_209, %select_n3A_407, %select_n3A_229, %select_n3A_418, %select_n3A_350, %select_n3A_396, %select_n3A_426 : i32, i32, i32, i32, i32, i32, i32
      }
      %scan3A_104 = arith.constant 25 : i32
      %sub3A = arith.constant 1 : i32
      %sub3A_105 = arith.subi %scan3A_103#6, %sub3A : i32
      %select_n3A_106 = arith.constant true
      %select_n3A_107 = arith.select %select_n3A_106, %sub3A_105, %scan3A_103#6 : i32
      %eq3A_108 = arith.constant -1 : i32
      %eq3A_109 = arith.cmpi eq, %select_n3A_107, %eq3A_108 : i32
      %select_n3A_110 = arith.constant 24 : i32
      %select_n3A_111 = arith.select %eq3A_109, %select_n3A_110, %select_n3A_107 : i32
      %add3A_112 = arith.addi %select_n3A_111, %mul3A_6 : i32
      %sub3A_113 = arith.constant 1 : i32
      %sub3A_114 = arith.subi %select_n3A_111, %sub3A_113 : i32
      %select_n3A_115 = arith.constant true
      %select_n3A_116 = arith.select %select_n3A_115, %sub3A_114, %select_n3A_111 : i32
      %eq3A_117 = arith.constant -1 : i32
      %eq3A_118 = arith.cmpi eq, %select_n3A_116, %eq3A_117 : i32
      %select_n3A_119 = arith.constant 24 : i32
      %select_n3A_120 = arith.select %eq3A_118, %select_n3A_119, %select_n3A_116 : i32
      %add3A_121 = arith.addi %select_n3A_120, %mul3A_6 : i32
      %add3A_122 = arith.constant 1 : i32
      %add3A_123 = arith.addi %select_n3A_111, %add3A_122 : i32
      %select_n3A_124 = arith.constant true
      %select_n3A_125 = arith.select %select_n3A_124, %add3A_123, %select_n3A_111 : i32
      %eq3A_126 = arith.constant 25 : i32
      %eq3A_127 = arith.cmpi eq, %select_n3A_125, %eq3A_126 : i32
      %select_n3A_128 = arith.constant 0 : i32
      %select_n3A_129 = arith.select %eq3A_127, %select_n3A_128, %select_n3A_125 : i32
      %add3A_130 = arith.addi %select_n3A_129, %mul3A_6 : i32
      %add3A_131 = arith.constant 1 : i32
      %add3A_132 = arith.addi %select_n3A_129, %add3A_131 : i32
      %select_n3A_133 = arith.constant true
      %select_n3A_134 = arith.select %select_n3A_133, %add3A_132, %select_n3A_129 : i32
      %eq3A_135 = arith.constant 25 : i32
      %eq3A_136 = arith.cmpi eq, %select_n3A_134, %eq3A_135 : i32
      %select_n3A_137 = arith.constant 0 : i32
      %select_n3A_138 = arith.select %eq3A_136, %select_n3A_137, %select_n3A_134 : i32
      %add3A_139 = arith.addi %select_n3A_138, %mul3A_6 : i32
      "tpu.trace_start"() <{level = 10 : i32, message = "ep_finalize"}> : () -> ()
      %rem3A_140 = arith.constant 2 : i32
      %rem3A_141 = arith.remui %scan3A_103#5, %rem3A_140 : i32
      %mul3A_142 = arith.constant 125 : i32
      %mul3A_143 = arith.muli %mul3A_142, %add3A_112 : i32
      %dma_wait3A = arith.constant 0 : i32
      %dma_wait3A_144 = arith.constant 0 : i32
      %dma_wait3A_145 = tpu.memref_slice %run_scoped3A_10[%rem3A_141, %dma_wait3A, %dma_wait3A_144] : memref<2x125x64xf32, #tpu.memory_space<vmem>> -> memref<1x125x64xf32, #tpu.memory_space<vmem>>
      %dma_wait3A_146 = tpu.memref_squeeze %dma_wait3A_145 : memref<1x125x64xf32, #tpu.memory_space<vmem>> -> memref<125x64xf32, #tpu.memory_space<vmem>>
      %dma_wait3A_147 = arith.constant 0 : i32
      %dma_wait3A_148 = tpu.memref_slice %arg5[%mul3A_143, %dma_wait3A_147] : memref<100000x64xf32, #tpu.memory_space<hbm>> -> memref<125x64xf32, #tpu.memory_space<hbm>>
      %dma_wait3A_149 = tpu.memref_slice %run_scoped3A_11[%rem3A_141] : memref<2x!tpu.dma_semaphore, #tpu.memory_space<semaphore_mem>> -> memref<1x!tpu.dma_semaphore, #tpu.memory_space<semaphore_mem>>
      %dma_wait3A_150 = tpu.memref_squeeze %dma_wait3A_149 : memref<1x!tpu.dma_semaphore, #tpu.memory_space<semaphore_mem>> -> memref<!tpu.dma_semaphore, #tpu.memory_space<semaphore_mem>>
      %dma_wait3A_151 = arith.constant 0 : i32
      %dma_wait3A_152 = tpu.memref_slice %arg5[%mul3A_143, %dma_wait3A_151] : memref<100000x64xf32, #tpu.memory_space<hbm>> -> memref<125x64xf32, #tpu.memory_space<hbm>>
      %dma_wait3A_153 = arith.constant 0 : i32
      %dma_wait3A_154 = arith.constant 0 : i32
      %dma_wait3A_155 = tpu.memref_slice %run_scoped3A_10[%rem3A_141, %dma_wait3A_153, %dma_wait3A_154] : memref<2x125x64xf32, #tpu.memory_space<vmem>> -> memref<1x125x64xf32, #tpu.memory_space<vmem>>
      %dma_wait3A_156 = tpu.memref_squeeze %dma_wait3A_155 : memref<1x125x64xf32, #tpu.memory_space<vmem>> -> memref<125x64xf32, #tpu.memory_space<vmem>>
      tpu.wait_dma2 semaphore(%dma_wait3A_150 : memref<!tpu.dma_semaphore, #tpu.memory_space<semaphore_mem>>) src(%dma_wait3A_156 : memref<125x64xf32, #tpu.memory_space<vmem>>) dst(%dma_wait3A_152 : memref<125x64xf32, #tpu.memory_space<hbm>>)
      "tpu.trace_stop"() : () -> ()
      tpu.yield
    }) : () -> ()
    return
  }
}

module attributes {stable_mosaic.version = 14 : i64} {
  func.func @_min_body(%arg0: memref<782x128xi32, #tpu.memory_space<vmem>>, %arg1: memref<782x128xi32, #tpu.memory_space<vmem>>, %arg2: memref<782x128xi32, #tpu.memory_space<vmem>>, %arg3: memref<1x128xi32, #tpu.memory_space<vmem>>, %arg4: memref<1x128xi32, #tpu.memory_space<vmem>>, %arg5: memref<1x128xi32, #tpu.memory_space<vmem>>) attributes {dimension_semantics = [], scalar_prefetch = 0 : i64, scratch_operands = 0 : i64, tpu.core_type = #tpu.core_type<tc>} {
    %get3A = arith.constant 0 : index
    %get3A_0 = arith.constant 0 : index
    %get3A_1 = vector.load %arg0[%get3A, %get3A_0] : memref<782x128xi32, #tpu.memory_space<vmem>>, vector<782x128xi32>
    %reduce_min3A = arith.constant dense<2147483647> : vector<128xi32>
    %reduce_min3A_2 = vector.multi_reduction <minsi>, %get3A_1, %reduce_min3A [0] : vector<782x128xi32> to vector<128xi32>
    %broadcast_in_dim3A = vector.shape_cast %reduce_min3A_2 : vector<128xi32> to vector<1x128xi32>
    %swap3A = arith.constant 0 : index
    %swap3A_3 = arith.constant 0 : index
    %swap3A_4 = vector.load %arg3[%swap3A, %swap3A_3] : memref<1x128xi32, #tpu.memory_space<vmem>>, vector<1x128xi32>
    tpu.vector_store %arg3[%swap3A, %swap3A_3], %broadcast_in_dim3A {strides = array<i32>} : memref<1x128xi32, #tpu.memory_space<vmem>>, vector<1x128xi32>,
    %get3A_5 = arith.constant 0 : index
    %get3A_6 = arith.constant 0 : index
    %get3A_7 = vector.load %arg1[%get3A_5, %get3A_6] : memref<782x128xi32, #tpu.memory_space<vmem>>, vector<782x128xi32>
    %reduce_min3A_8 = arith.constant dense<2147483647> : vector<128xi32>
    %reduce_min3A_9 = vector.multi_reduction <minsi>, %get3A_7, %reduce_min3A_8 [0] : vector<782x128xi32> to vector<128xi32>
    %broadcast_in_dim3A_10 = vector.shape_cast %reduce_min3A_9 : vector<128xi32> to vector<1x128xi32>
    %swap3A_11 = arith.constant 0 : index
    %swap3A_12 = arith.constant 0 : index
    %swap3A_13 = vector.load %arg4[%swap3A_11, %swap3A_12] : memref<1x128xi32, #tpu.memory_space<vmem>>, vector<1x128xi32>
    tpu.vector_store %arg4[%swap3A_11, %swap3A_12], %broadcast_in_dim3A_10 {strides = array<i32>} : memref<1x128xi32, #tpu.memory_space<vmem>>, vector<1x128xi32>,
    %get3A_14 = arith.constant 0 : index
    %get3A_15 = arith.constant 0 : index
    %get3A_16 = vector.load %arg2[%get3A_14, %get3A_15] : memref<782x128xi32, #tpu.memory_space<vmem>>, vector<782x128xi32>
    %reduce_min3A_17 = arith.constant dense<2147483647> : vector<128xi32>
    %reduce_min3A_18 = vector.multi_reduction <minsi>, %get3A_16, %reduce_min3A_17 [0] : vector<782x128xi32> to vector<128xi32>
    %broadcast_in_dim3A_19 = vector.shape_cast %reduce_min3A_18 : vector<128xi32> to vector<1x128xi32>
    %swap3A_20 = arith.constant 0 : index
    %swap3A_21 = arith.constant 0 : index
    %swap3A_22 = vector.load %arg5[%swap3A_20, %swap3A_21] : memref<1x128xi32, #tpu.memory_space<vmem>>, vector<1x128xi32>
    tpu.vector_store %arg5[%swap3A_20, %swap3A_21], %broadcast_in_dim3A_19 {strides = array<i32>} : memref<1x128xi32, #tpu.memory_space<vmem>>, vector<1x128xi32>,
    return
  }
}

module attributes {stable_mosaic.version = 14 : i64} {
  func.func @_proj_body(%arg0: i32, %arg1: memref<1x4xi32, #tpu.memory_space<smem>>, %arg2: memref<12x4xf32, #tpu.memory_space<smem>>, %arg3: memref<1x4xf32, #tpu.memory_space<smem>>, %arg4: memref<1x1x2000xi32, #tpu.memory_space<vmem>>, %arg5: memref<1x1x2000xi32, #tpu.memory_space<vmem>>, %arg6: memref<1x1x2000xi32, #tpu.memory_space<vmem>>, %arg7: memref<1x4x2000xi32, #tpu.memory_space<vmem>>, %arg8: memref<1x1x2000xi32, #tpu.memory_space<vmem>>, %arg9: memref<1x1x2000xf32, #tpu.memory_space<vmem>>) attributes {dimension_semantics = [#tpu.dimension_semantics<arbitrary>], iteration_bounds = array<i64: 50>, scalar_prefetch = 0 : i64, scratch_operands = 0 : i64, tpu.core_type = #tpu.core_type<tc>, window_params = [{transform_indices = @transform_0, window_bounds = array<i64: 1, 4>}, {transform_indices = @transform_1, window_bounds = array<i64: 12, 4>}, {transform_indices = @transform_2, window_bounds = array<i64: 1, 4>}, {transform_indices = @transform_3, window_bounds = array<i64: 1, 1, 2000>}, {transform_indices = @transform_4, window_bounds = array<i64: 1, 1, 2000>}, {transform_indices = @transform_5, window_bounds = array<i64: 1, 1, 2000>}, {transform_indices = @transform_6, window_bounds = array<i64: 1, 4, 2000>}, {transform_indices = @transform_7, window_bounds = array<i64: 1, 1, 2000>}, {transform_indices = @transform_8, window_bounds = array<i64: 1, 1, 2000>}]} {
    %get3A = arith.constant 0 : index
    %get3A_0 = arith.constant 1 : index
    %get3A_1 = memref.load %arg1[%get3A, %get3A_0] : memref<1x4xi32, #tpu.memory_space<smem>>
    %get3A_2 = arith.constant 0 : index
    %get3A_3 = arith.constant 2 : index
    %get3A_4 = memref.load %arg1[%get3A_2, %get3A_3] : memref<1x4xi32, #tpu.memory_space<smem>>
    %get3A_5 = arith.constant 0 : index
    %get3A_6 = arith.constant 3 : index
    %get3A_7 = memref.load %arg1[%get3A_5, %get3A_6] : memref<1x4xi32, #tpu.memory_space<smem>>
    %get3A_8 = arith.constant 0 : index
    %get3A_9 = arith.constant 0 : index
    %get3A_10 = arith.constant 0 : index
    %get3A_11 = vector.load %arg4[%get3A_8, %get3A_9, %get3A_10] : memref<1x1x2000xi32, #tpu.memory_space<vmem>>, vector<1x1x2000xi32>
    %get3A_12 = vector.shape_cast %get3A_11 : vector<1x1x2000xi32> to vector<2000xi32>
    %sub3A = vector.broadcast %get3A_1 : i32 to vector<2000xi32>
    %sub3A_13 = arith.subi %get3A_12, %sub3A : vector<2000xi32>
    %convert_element_type3A = arith.sitofp %sub3A_13 : vector<2000xi32> to vector<2000xf32>
    %add3A = arith.constant 5.000000e-01 : f32
    %add3A_14 = vector.broadcast %add3A : f32 to vector<2000xf32>
    %add3A_15 = arith.addf %convert_element_type3A, %add3A_14 : vector<2000xf32>
    %get3A_16 = arith.constant 0 : index
    %get3A_17 = arith.constant 0 : index
    %get3A_18 = arith.constant 0 : index
    %get3A_19 = vector.load %arg5[%get3A_16, %get3A_17, %get3A_18] : memref<1x1x2000xi32, #tpu.memory_space<vmem>>, vector<1x1x2000xi32>
    %get3A_20 = vector.shape_cast %get3A_19 : vector<1x1x2000xi32> to vector<2000xi32>
    %sub3A_21 = vector.broadcast %get3A_4 : i32 to vector<2000xi32>
    %sub3A_22 = arith.subi %get3A_20, %sub3A_21 : vector<2000xi32>
    %convert_element_type3A_23 = arith.sitofp %sub3A_22 : vector<2000xi32> to vector<2000xf32>
    %add3A_24 = arith.constant 5.000000e-01 : f32
    %add3A_25 = vector.broadcast %add3A_24 : f32 to vector<2000xf32>
    %add3A_26 = arith.addf %convert_element_type3A_23, %add3A_25 : vector<2000xf32>
    %get3A_27 = arith.constant 0 : index
    %get3A_28 = arith.constant 0 : index
    %get3A_29 = arith.constant 0 : index
    %get3A_30 = vector.load %arg6[%get3A_27, %get3A_28, %get3A_29] : memref<1x1x2000xi32, #tpu.memory_space<vmem>>, vector<1x1x2000xi32>
    %get3A_31 = vector.shape_cast %get3A_30 : vector<1x1x2000xi32> to vector<2000xi32>
    %sub3A_32 = vector.broadcast %get3A_7 : i32 to vector<2000xi32>
    %sub3A_33 = arith.subi %get3A_31, %sub3A_32 : vector<2000xi32>
    %convert_element_type3A_34 = arith.sitofp %sub3A_33 : vector<2000xi32> to vector<2000xf32>
    %add3A_35 = arith.constant 5.000000e-01 : f32
    %add3A_36 = vector.broadcast %add3A_35 : f32 to vector<2000xf32>
    %add3A_37 = arith.addf %convert_element_type3A_34, %add3A_36 : vector<2000xf32>
    %get3A_38 = arith.constant 0 : index
    %get3A_39 = arith.constant 0 : index
    %get3A_40 = memref.load %arg3[%get3A_38, %get3A_39] : memref<1x4xf32, #tpu.memory_space<smem>>
    %get3A_41 = arith.constant 0 : index
    %get3A_42 = arith.constant 1 : index
    %get3A_43 = memref.load %arg3[%get3A_41, %get3A_42] : memref<1x4xf32, #tpu.memory_space<smem>>
    %get3A_44 = arith.constant 0 : index
    %get3A_45 = arith.constant 2 : index
    %get3A_46 = memref.load %arg3[%get3A_44, %get3A_45] : memref<1x4xf32, #tpu.memory_space<smem>>
    %get3A_47 = arith.constant 0 : index
    %get3A_48 = arith.constant 3 : index
    %get3A_49 = memref.load %arg3[%get3A_47, %get3A_48] : memref<1x4xf32, #tpu.memory_space<smem>>
    %broadcast_in_dim3A = arith.constant 0 : i32
    %broadcast_in_dim3A_50 = vector.broadcast %broadcast_in_dim3A : i32 to vector<2000xi32>
    %get3A_51 = arith.constant 0 : index
    %get3A_52 = arith.constant 0 : index
    %get3A_53 = memref.load %arg2[%get3A_51, %get3A_52] : memref<12x4xf32, #tpu.memory_space<smem>>
    %mul3A = vector.broadcast %get3A_53 : f32 to vector<2000xf32>
    %mul3A_54 = arith.mulf %add3A_15, %mul3A : vector<2000xf32>
    %get3A_55 = arith.constant 0 : index
    %get3A_56 = arith.constant 1 : index
    %get3A_57 = memref.load %arg2[%get3A_55, %get3A_56] : memref<12x4xf32, #tpu.memory_space<smem>>
    %mul3A_58 = vector.broadcast %get3A_57 : f32 to vector<2000xf32>
    %mul3A_59 = arith.mulf %add3A_26, %mul3A_58 : vector<2000xf32>
    %add3A_60 = arith.addf %mul3A_54, %mul3A_59 : vector<2000xf32>
    %get3A_61 = arith.constant 0 : index
    %get3A_62 = arith.constant 2 : index
    %get3A_63 = memref.load %arg2[%get3A_61, %get3A_62] : memref<12x4xf32, #tpu.memory_space<smem>>
    %mul3A_64 = vector.broadcast %get3A_63 : f32 to vector<2000xf32>
    %mul3A_65 = arith.mulf %add3A_37, %mul3A_64 : vector<2000xf32>
    %add3A_66 = arith.addf %add3A_60, %mul3A_65 : vector<2000xf32>
    %get3A_67 = arith.constant 0 : index
    %get3A_68 = arith.constant 3 : index
    %get3A_69 = memref.load %arg2[%get3A_67, %get3A_68] : memref<12x4xf32, #tpu.memory_space<smem>>
    %add3A_70 = vector.broadcast %get3A_69 : f32 to vector<2000xf32>
    %add3A_71 = arith.addf %add3A_66, %add3A_70 : vector<2000xf32>
    %get3A_72 = arith.constant 1 : index
    %get3A_73 = arith.constant 0 : index
    %get3A_74 = memref.load %arg2[%get3A_72, %get3A_73] : memref<12x4xf32, #tpu.memory_space<smem>>
    %mul3A_75 = vector.broadcast %get3A_74 : f32 to vector<2000xf32>
    %mul3A_76 = arith.mulf %add3A_15, %mul3A_75 : vector<2000xf32>
    %get3A_77 = arith.constant 1 : index
    %get3A_78 = arith.constant 1 : index
    %get3A_79 = memref.load %arg2[%get3A_77, %get3A_78] : memref<12x4xf32, #tpu.memory_space<smem>>
    %mul3A_80 = vector.broadcast %get3A_79 : f32 to vector<2000xf32>
    %mul3A_81 = arith.mulf %add3A_26, %mul3A_80 : vector<2000xf32>
    %add3A_82 = arith.addf %mul3A_76, %mul3A_81 : vector<2000xf32>
    %get3A_83 = arith.constant 1 : index
    %get3A_84 = arith.constant 2 : index
    %get3A_85 = memref.load %arg2[%get3A_83, %get3A_84] : memref<12x4xf32, #tpu.memory_space<smem>>
    %mul3A_86 = vector.broadcast %get3A_85 : f32 to vector<2000xf32>
    %mul3A_87 = arith.mulf %add3A_37, %mul3A_86 : vector<2000xf32>
    %add3A_88 = arith.addf %add3A_82, %mul3A_87 : vector<2000xf32>
    %get3A_89 = arith.constant 1 : index
    %get3A_90 = arith.constant 3 : index
    %get3A_91 = memref.load %arg2[%get3A_89, %get3A_90] : memref<12x4xf32, #tpu.memory_space<smem>>
    %add3A_92 = vector.broadcast %get3A_91 : f32 to vector<2000xf32>
    %add3A_93 = arith.addf %add3A_88, %add3A_92 : vector<2000xf32>
    %get3A_94 = arith.constant 2 : index
    %get3A_95 = arith.constant 0 : index
    %get3A_96 = memref.load %arg2[%get3A_94, %get3A_95] : memref<12x4xf32, #tpu.memory_space<smem>>
    %mul3A_97 = vector.broadcast %get3A_96 : f32 to vector<2000xf32>
    %mul3A_98 = arith.mulf %add3A_15, %mul3A_97 : vector<2000xf32>
    %get3A_99 = arith.constant 2 : index
    %get3A_100 = arith.constant 1 : index
    %get3A_101 = memref.load %arg2[%get3A_99, %get3A_100] : memref<12x4xf32, #tpu.memory_space<smem>>
    %mul3A_102 = vector.broadcast %get3A_101 : f32 to vector<2000xf32>
    %mul3A_103 = arith.mulf %add3A_26, %mul3A_102 : vector<2000xf32>
    %add3A_104 = arith.addf %mul3A_98, %mul3A_103 : vector<2000xf32>
    %get3A_105 = arith.constant 2 : index
    %get3A_106 = arith.constant 2 : index
    %get3A_107 = memref.load %arg2[%get3A_105, %get3A_106] : memref<12x4xf32, #tpu.memory_space<smem>>
    %mul3A_108 = vector.broadcast %get3A_107 : f32 to vector<2000xf32>
    %mul3A_109 = arith.mulf %add3A_37, %mul3A_108 : vector<2000xf32>
    %add3A_110 = arith.addf %add3A_104, %mul3A_109 : vector<2000xf32>
    %get3A_111 = arith.constant 2 : index
    %get3A_112 = arith.constant 3 : index
    %get3A_113 = memref.load %arg2[%get3A_111, %get3A_112] : memref<12x4xf32, #tpu.memory_space<smem>>
    %add3A_114 = vector.broadcast %get3A_113 : f32 to vector<2000xf32>
    %add3A_115 = arith.addf %add3A_110, %add3A_114 : vector<2000xf32>
    %abs3A = math.absf %add3A_115 : vector<2000xf32>
    %lt3A = arith.constant 9.99999997E-7 : f32
    %lt3A_116 = vector.broadcast %lt3A : f32 to vector<2000xf32>
    %lt3A_117 = arith.cmpf olt, %abs3A, %lt3A_116 : vector<2000xf32>
    %jit3A = arith.constant 9.99999997E-7 : f32
    %broadcast_in_dim3A_118 = vector.broadcast %jit3A : f32 to vector<2000xf32>
    %select_n3A = arith.select %lt3A_117, %broadcast_in_dim3A_118, %add3A_115 : vector<2000xi1>, vector<2000xf32>
    %mul3A_119 = vector.broadcast %get3A_40 : f32 to vector<2000xf32>
    %mul3A_120 = arith.mulf %mul3A_119, %add3A_71 : vector<2000xf32>
    %div3A = arith.divf %mul3A_120, %select_n3A : vector<2000xf32>
    %add3A_121 = vector.broadcast %get3A_46 : f32 to vector<2000xf32>
    %add3A_122 = arith.addf %div3A, %add3A_121 : vector<2000xf32>
    %mul3A_123 = vector.broadcast %get3A_43 : f32 to vector<2000xf32>
    %mul3A_124 = arith.mulf %mul3A_123, %add3A_93 : vector<2000xf32>
    %div3A_125 = arith.divf %mul3A_124, %select_n3A : vector<2000xf32>
    %add3A_126 = vector.broadcast %get3A_49 : f32 to vector<2000xf32>
    %add3A_127 = arith.addf %div3A_125, %add3A_126 : vector<2000xf32>
    %ge3A = arith.constant 2.000000e+00 : f32
    %ge3A_128 = vector.broadcast %ge3A : f32 to vector<2000xf32>
    %ge3A_129 = arith.cmpf oge, %add3A_115, %ge3A_128 : vector<2000xf32>
    %le3A = arith.constant 8.000000e+01 : f32
    %le3A_130 = vector.broadcast %le3A : f32 to vector<2000xf32>
    %le3A_131 = arith.cmpf ole, %add3A_115, %le3A_130 : vector<2000xf32>
    %and3A = arith.andi %ge3A_129, %le3A_131 : vector<2000xi1>
    %ge3A_132 = arith.constant 0.000000e+00 : f32
    %ge3A_133 = vector.broadcast %ge3A_132 : f32 to vector<2000xf32>
    %ge3A_134 = arith.cmpf oge, %add3A_122, %ge3A_133 : vector<2000xf32>
    %and3A_135 = arith.andi %and3A, %ge3A_134 : vector<2000xi1>
    %lt3A_136 = arith.constant 2.560000e+02 : f32
    %lt3A_137 = vector.broadcast %lt3A_136 : f32 to vector<2000xf32>
    %lt3A_138 = arith.cmpf olt, %add3A_122, %lt3A_137 : vector<2000xf32>
    %and3A_139 = arith.andi %and3A_135, %lt3A_138 : vector<2000xi1>
    %ge3A_140 = arith.constant 0.000000e+00 : f32
    %ge3A_141 = vector.broadcast %ge3A_140 : f32 to vector<2000xf32>
    %ge3A_142 = arith.cmpf oge, %add3A_127, %ge3A_141 : vector<2000xf32>
    %and3A_143 = arith.andi %and3A_139, %ge3A_142 : vector<2000xi1>
    %lt3A_144 = arith.constant 1.920000e+02 : f32
    %lt3A_145 = vector.broadcast %lt3A_144 : f32 to vector<2000xf32>
    %lt3A_146 = arith.cmpf olt, %add3A_127, %lt3A_145 : vector<2000xf32>
    %and3A_147 = arith.andi %and3A_143, %lt3A_146 : vector<2000xi1>
    %jit3A_148 = arith.constant 0.000000e+00 : f32
    %jit3A_149 = arith.constant 2.550000e+02 : f32
    %max3A = vector.broadcast %jit3A_148 : f32 to vector<2000xf32>
    %max3A_150 = arith.maximumf %max3A, %add3A_122 : vector<2000xf32>
    %min3A = vector.broadcast %jit3A_149 : f32 to vector<2000xf32>
    %min3A_151 = arith.minimumf %min3A, %max3A_150 : vector<2000xf32>
    %floor3A = math.floor %min3A_151 : vector<2000xf32>
    %convert_element_type3A_152 = arith.fptosi %floor3A : vector<2000xf32> to vector<2000xi32>
    %jit3A_153 = arith.constant 0.000000e+00 : f32
    %jit3A_154 = arith.constant 1.910000e+02 : f32
    %max3A_155 = vector.broadcast %jit3A_153 : f32 to vector<2000xf32>
    %max3A_156 = arith.maximumf %max3A_155, %add3A_127 : vector<2000xf32>
    %min3A_157 = vector.broadcast %jit3A_154 : f32 to vector<2000xf32>
    %min3A_158 = arith.minimumf %min3A_157, %max3A_156 : vector<2000xf32>
    %floor3A_159 = math.floor %min3A_158 : vector<2000xf32>
    %convert_element_type3A_160 = arith.fptosi %floor3A_159 : vector<2000xf32> to vector<2000xi32>
    %mul3A_161 = arith.constant 256 : i32
    %mul3A_162 = vector.broadcast %mul3A_161 : i32 to vector<2000xi32>
    %mul3A_163 = arith.muli %convert_element_type3A_160, %mul3A_162 : vector<2000xi32>
    %add3A_164 = arith.constant 0 : i32
    %add3A_165 = vector.broadcast %add3A_164 : i32 to vector<2000xi32>
    %add3A_166 = arith.addi %add3A_165, %mul3A_163 : vector<2000xi32>
    %add3A_167 = arith.addi %add3A_166, %convert_element_type3A_152 : vector<2000xi32>
    %iota3A = tpu.iota {dimensions = array<i32: 1>} : vector<1x2000xi32>
    %iota3A_168 = vector.shape_cast %iota3A : vector<1x2000xi32> to vector<2000xi32>
    %mul3A_169 = arith.constant 4 : i32
    %mul3A_170 = vector.broadcast %mul3A_169 : i32 to vector<2000xi32>
    %mul3A_171 = arith.muli %iota3A_168, %mul3A_170 : vector<2000xi32>
    %add3A_172 = arith.constant 0 : i32
    %add3A_173 = vector.broadcast %add3A_172 : i32 to vector<2000xi32>
    %add3A_174 = arith.addi %mul3A_171, %add3A_173 : vector<2000xi32>
    %and3A_175 = arith.constant 8191 : i32
    %and3A_176 = vector.broadcast %and3A_175 : i32 to vector<2000xi32>
    %and3A_177 = arith.andi %add3A_174, %and3A_176 : vector<2000xi32>
    %add3A_178 = arith.constant 196608 : i32
    %add3A_179 = vector.broadcast %add3A_178 : i32 to vector<2000xi32>
    %add3A_180 = arith.addi %add3A_179, %and3A_177 : vector<2000xi32>
    %select_n3A_181 = arith.select %and3A_147, %add3A_167, %add3A_180 : vector<2000xi1>, vector<2000xi32>
    %swap3A = arith.constant 0 : index
    %swap3A_182 = arith.constant 0 : index
    %swap3A_183 = arith.constant 0 : index
    %swap3A_184 = vector.load %arg7[%swap3A, %swap3A_182, %swap3A_183] : memref<1x4x2000xi32, #tpu.memory_space<vmem>>, vector<1x1x2000xi32>
    %swap3A_185 = vector.shape_cast %swap3A_184 : vector<1x1x2000xi32> to vector<2000xi32>
    %swap3A_186 = vector.shape_cast %select_n3A_181 : vector<2000xi32> to vector<1x1x2000xi32>
    tpu.vector_store %arg7[%swap3A, %swap3A_182, %swap3A_183], %swap3A_186 {strides = array<i32>} : memref<1x4x2000xi32, #tpu.memory_space<vmem>>, vector<1x1x2000xi32>,
    %convert_element_type3A_187 = arith.extui %and3A_147 : vector<2000xi1> to vector<2000xi32>
    %add3A_188 = arith.addi %broadcast_in_dim3A_50, %convert_element_type3A_187 : vector<2000xi32>
    %get3A_189 = arith.constant 3 : index
    %get3A_190 = arith.constant 0 : index
    %get3A_191 = memref.load %arg2[%get3A_189, %get3A_190] : memref<12x4xf32, #tpu.memory_space<smem>>
    %mul3A_192 = vector.broadcast %get3A_191 : f32 to vector<2000xf32>
    %mul3A_193 = arith.mulf %add3A_15, %mul3A_192 : vector<2000xf32>
    %get3A_194 = arith.constant 3 : index
    %get3A_195 = arith.constant 1 : index
    %get3A_196 = memref.load %arg2[%get3A_194, %get3A_195] : memref<12x4xf32, #tpu.memory_space<smem>>
    %mul3A_197 = vector.broadcast %get3A_196 : f32 to vector<2000xf32>
    %mul3A_198 = arith.mulf %add3A_26, %mul3A_197 : vector<2000xf32>
    %add3A_199 = arith.addf %mul3A_193, %mul3A_198 : vector<2000xf32>
    %get3A_200 = arith.constant 3 : index
    %get3A_201 = arith.constant 2 : index
    %get3A_202 = memref.load %arg2[%get3A_200, %get3A_201] : memref<12x4xf32, #tpu.memory_space<smem>>
    %mul3A_203 = vector.broadcast %get3A_202 : f32 to vector<2000xf32>
    %mul3A_204 = arith.mulf %add3A_37, %mul3A_203 : vector<2000xf32>
    %add3A_205 = arith.addf %add3A_199, %mul3A_204 : vector<2000xf32>
    %get3A_206 = arith.constant 3 : index
    %get3A_207 = arith.constant 3 : index
    %get3A_208 = memref.load %arg2[%get3A_206, %get3A_207] : memref<12x4xf32, #tpu.memory_space<smem>>
    %add3A_209 = vector.broadcast %get3A_208 : f32 to vector<2000xf32>
    %add3A_210 = arith.addf %add3A_205, %add3A_209 : vector<2000xf32>
    %get3A_211 = arith.constant 4 : index
    %get3A_212 = arith.constant 0 : index
    %get3A_213 = memref.load %arg2[%get3A_211, %get3A_212] : memref<12x4xf32, #tpu.memory_space<smem>>
    %mul3A_214 = vector.broadcast %get3A_213 : f32 to vector<2000xf32>
    %mul3A_215 = arith.mulf %add3A_15, %mul3A_214 : vector<2000xf32>
    %get3A_216 = arith.constant 4 : index
    %get3A_217 = arith.constant 1 : index
    %get3A_218 = memref.load %arg2[%get3A_216, %get3A_217] : memref<12x4xf32, #tpu.memory_space<smem>>
    %mul3A_219 = vector.broadcast %get3A_218 : f32 to vector<2000xf32>
    %mul3A_220 = arith.mulf %add3A_26, %mul3A_219 : vector<2000xf32>
    %add3A_221 = arith.addf %mul3A_215, %mul3A_220 : vector<2000xf32>
    %get3A_222 = arith.constant 4 : index
    %get3A_223 = arith.constant 2 : index
    %get3A_224 = memref.load %arg2[%get3A_222, %get3A_223] : memref<12x4xf32, #tpu.memory_space<smem>>
    %mul3A_225 = vector.broadcast %get3A_224 : f32 to vector<2000xf32>
    %mul3A_226 = arith.mulf %add3A_37, %mul3A_225 : vector<2000xf32>
    %add3A_227 = arith.addf %add3A_221, %mul3A_226 : vector<2000xf32>
    %get3A_228 = arith.constant 4 : index
    %get3A_229 = arith.constant 3 : index
    %get3A_230 = memref.load %arg2[%get3A_228, %get3A_229] : memref<12x4xf32, #tpu.memory_space<smem>>
    %add3A_231 = vector.broadcast %get3A_230 : f32 to vector<2000xf32>
    %add3A_232 = arith.addf %add3A_227, %add3A_231 : vector<2000xf32>
    %get3A_233 = arith.constant 5 : index
    %get3A_234 = arith.constant 0 : index
    %get3A_235 = memref.load %arg2[%get3A_233, %get3A_234] : memref<12x4xf32, #tpu.memory_space<smem>>
    %mul3A_236 = vector.broadcast %get3A_235 : f32 to vector<2000xf32>
    %mul3A_237 = arith.mulf %add3A_15, %mul3A_236 : vector<2000xf32>
    %get3A_238 = arith.constant 5 : index
    %get3A_239 = arith.constant 1 : index
    %get3A_240 = memref.load %arg2[%get3A_238, %get3A_239] : memref<12x4xf32, #tpu.memory_space<smem>>
    %mul3A_241 = vector.broadcast %get3A_240 : f32 to vector<2000xf32>
    %mul3A_242 = arith.mulf %add3A_26, %mul3A_241 : vector<2000xf32>
    %add3A_243 = arith.addf %mul3A_237, %mul3A_242 : vector<2000xf32>
    %get3A_244 = arith.constant 5 : index
    %get3A_245 = arith.constant 2 : index
    %get3A_246 = memref.load %arg2[%get3A_244, %get3A_245] : memref<12x4xf32, #tpu.memory_space<smem>>
    %mul3A_247 = vector.broadcast %get3A_246 : f32 to vector<2000xf32>
    %mul3A_248 = arith.mulf %add3A_37, %mul3A_247 : vector<2000xf32>
    %add3A_249 = arith.addf %add3A_243, %mul3A_248 : vector<2000xf32>
    %get3A_250 = arith.constant 5 : index
    %get3A_251 = arith.constant 3 : index
    %get3A_252 = memref.load %arg2[%get3A_250, %get3A_251] : memref<12x4xf32, #tpu.memory_space<smem>>
    %add3A_253 = vector.broadcast %get3A_252 : f32 to vector<2000xf32>
    %add3A_254 = arith.addf %add3A_249, %add3A_253 : vector<2000xf32>
    %abs3A_255 = math.absf %add3A_254 : vector<2000xf32>
    %lt3A_256 = arith.constant 9.99999997E-7 : f32
    %lt3A_257 = vector.broadcast %lt3A_256 : f32 to vector<2000xf32>
    %lt3A_258 = arith.cmpf olt, %abs3A_255, %lt3A_257 : vector<2000xf32>
    %jit3A_259 = arith.constant 9.99999997E-7 : f32
    %broadcast_in_dim3A_260 = vector.broadcast %jit3A_259 : f32 to vector<2000xf32>
    %select_n3A_261 = arith.select %lt3A_258, %broadcast_in_dim3A_260, %add3A_254 : vector<2000xi1>, vector<2000xf32>
    %mul3A_262 = vector.broadcast %get3A_40 : f32 to vector<2000xf32>
    %mul3A_263 = arith.mulf %mul3A_262, %add3A_210 : vector<2000xf32>
    %div3A_264 = arith.divf %mul3A_263, %select_n3A_261 : vector<2000xf32>
    %add3A_265 = vector.broadcast %get3A_46 : f32 to vector<2000xf32>
    %add3A_266 = arith.addf %div3A_264, %add3A_265 : vector<2000xf32>
    %mul3A_267 = vector.broadcast %get3A_43 : f32 to vector<2000xf32>
    %mul3A_268 = arith.mulf %mul3A_267, %add3A_232 : vector<2000xf32>
    %div3A_269 = arith.divf %mul3A_268, %select_n3A_261 : vector<2000xf32>
    %add3A_270 = vector.broadcast %get3A_49 : f32 to vector<2000xf32>
    %add3A_271 = arith.addf %div3A_269, %add3A_270 : vector<2000xf32>
    %ge3A_272 = arith.constant 2.000000e+00 : f32
    %ge3A_273 = vector.broadcast %ge3A_272 : f32 to vector<2000xf32>
    %ge3A_274 = arith.cmpf oge, %add3A_254, %ge3A_273 : vector<2000xf32>
    %le3A_275 = arith.constant 8.000000e+01 : f32
    %le3A_276 = vector.broadcast %le3A_275 : f32 to vector<2000xf32>
    %le3A_277 = arith.cmpf ole, %add3A_254, %le3A_276 : vector<2000xf32>
    %and3A_278 = arith.andi %ge3A_274, %le3A_277 : vector<2000xi1>
    %ge3A_279 = arith.constant 0.000000e+00 : f32
    %ge3A_280 = vector.broadcast %ge3A_279 : f32 to vector<2000xf32>
    %ge3A_281 = arith.cmpf oge, %add3A_266, %ge3A_280 : vector<2000xf32>
    %and3A_282 = arith.andi %and3A_278, %ge3A_281 : vector<2000xi1>
    %lt3A_283 = arith.constant 2.560000e+02 : f32
    %lt3A_284 = vector.broadcast %lt3A_283 : f32 to vector<2000xf32>
    %lt3A_285 = arith.cmpf olt, %add3A_266, %lt3A_284 : vector<2000xf32>
    %and3A_286 = arith.andi %and3A_282, %lt3A_285 : vector<2000xi1>
    %ge3A_287 = arith.constant 0.000000e+00 : f32
    %ge3A_288 = vector.broadcast %ge3A_287 : f32 to vector<2000xf32>
    %ge3A_289 = arith.cmpf oge, %add3A_271, %ge3A_288 : vector<2000xf32>
    %and3A_290 = arith.andi %and3A_286, %ge3A_289 : vector<2000xi1>
    %lt3A_291 = arith.constant 1.920000e+02 : f32
    %lt3A_292 = vector.broadcast %lt3A_291 : f32 to vector<2000xf32>
    %lt3A_293 = arith.cmpf olt, %add3A_271, %lt3A_292 : vector<2000xf32>
    %and3A_294 = arith.andi %and3A_290, %lt3A_293 : vector<2000xi1>
    %jit3A_295 = arith.constant 0.000000e+00 : f32
    %jit3A_296 = arith.constant 2.550000e+02 : f32
    %max3A_297 = vector.broadcast %jit3A_295 : f32 to vector<2000xf32>
    %max3A_298 = arith.maximumf %max3A_297, %add3A_266 : vector<2000xf32>
    %min3A_299 = vector.broadcast %jit3A_296 : f32 to vector<2000xf32>
    %min3A_300 = arith.minimumf %min3A_299, %max3A_298 : vector<2000xf32>
    %floor3A_301 = math.floor %min3A_300 : vector<2000xf32>
    %convert_element_type3A_302 = arith.fptosi %floor3A_301 : vector<2000xf32> to vector<2000xi32>
    %jit3A_303 = arith.constant 0.000000e+00 : f32
    %jit3A_304 = arith.constant 1.910000e+02 : f32
    %max3A_305 = vector.broadcast %jit3A_303 : f32 to vector<2000xf32>
    %max3A_306 = arith.maximumf %max3A_305, %add3A_271 : vector<2000xf32>
    %min3A_307 = vector.broadcast %jit3A_304 : f32 to vector<2000xf32>
    %min3A_308 = arith.minimumf %min3A_307, %max3A_306 : vector<2000xf32>
    %floor3A_309 = math.floor %min3A_308 : vector<2000xf32>
    %convert_element_type3A_310 = arith.fptosi %floor3A_309 : vector<2000xf32> to vector<2000xi32>
    %mul3A_311 = arith.constant 256 : i32
    %mul3A_312 = vector.broadcast %mul3A_311 : i32 to vector<2000xi32>
    %mul3A_313 = arith.muli %convert_element_type3A_310, %mul3A_312 : vector<2000xi32>
    %add3A_314 = arith.constant 49152 : i32
    %add3A_315 = vector.broadcast %add3A_314 : i32 to vector<2000xi32>
    %add3A_316 = arith.addi %add3A_315, %mul3A_313 : vector<2000xi32>
    %add3A_317 = arith.addi %add3A_316, %convert_element_type3A_302 : vector<2000xi32>
    %iota3A_318 = tpu.iota {dimensions = array<i32: 1>} : vector<1x2000xi32>
    %iota3A_319 = vector.shape_cast %iota3A_318 : vector<1x2000xi32> to vector<2000xi32>
    %mul3A_320 = arith.constant 4 : i32
    %mul3A_321 = vector.broadcast %mul3A_320 : i32 to vector<2000xi32>
    %mul3A_322 = arith.muli %iota3A_319, %mul3A_321 : vector<2000xi32>
    %add3A_323 = arith.constant 1 : i32
    %add3A_324 = vector.broadcast %add3A_323 : i32 to vector<2000xi32>
    %add3A_325 = arith.addi %mul3A_322, %add3A_324 : vector<2000xi32>
    %and3A_326 = arith.constant 8191 : i32
    %and3A_327 = vector.broadcast %and3A_326 : i32 to vector<2000xi32>
    %and3A_328 = arith.andi %add3A_325, %and3A_327 : vector<2000xi32>
    %add3A_329 = arith.constant 196608 : i32
    %add3A_330 = vector.broadcast %add3A_329 : i32 to vector<2000xi32>
    %add3A_331 = arith.addi %add3A_330, %and3A_328 : vector<2000xi32>
    %select_n3A_332 = arith.select %and3A_294, %add3A_317, %add3A_331 : vector<2000xi1>, vector<2000xi32>
    %swap3A_333 = arith.constant 0 : index
    %swap3A_334 = arith.constant 1 : index
    %swap3A_335 = arith.constant 0 : index
    %swap3A_336 = vector.load %arg7[%swap3A_333, %swap3A_334, %swap3A_335] : memref<1x4x2000xi32, #tpu.memory_space<vmem>>, vector<1x1x2000xi32>
    %swap3A_337 = vector.shape_cast %swap3A_336 : vector<1x1x2000xi32> to vector<2000xi32>
    %swap3A_338 = vector.shape_cast %select_n3A_332 : vector<2000xi32> to vector<1x1x2000xi32>
    tpu.vector_store %arg7[%swap3A_333, %swap3A_334, %swap3A_335], %swap3A_338 {strides = array<i32>} : memref<1x4x2000xi32, #tpu.memory_space<vmem>>, vector<1x1x2000xi32>,
    %convert_element_type3A_339 = arith.extui %and3A_294 : vector<2000xi1> to vector<2000xi32>
    %add3A_340 = arith.addi %add3A_188, %convert_element_type3A_339 : vector<2000xi32>
    %get3A_341 = arith.constant 6 : index
    %get3A_342 = arith.constant 0 : index
    %get3A_343 = memref.load %arg2[%get3A_341, %get3A_342] : memref<12x4xf32, #tpu.memory_space<smem>>
    %mul3A_344 = vector.broadcast %get3A_343 : f32 to vector<2000xf32>
    %mul3A_345 = arith.mulf %add3A_15, %mul3A_344 : vector<2000xf32>
    %get3A_346 = arith.constant 6 : index
    %get3A_347 = arith.constant 1 : index
    %get3A_348 = memref.load %arg2[%get3A_346, %get3A_347] : memref<12x4xf32, #tpu.memory_space<smem>>
    %mul3A_349 = vector.broadcast %get3A_348 : f32 to vector<2000xf32>
    %mul3A_350 = arith.mulf %add3A_26, %mul3A_349 : vector<2000xf32>
    %add3A_351 = arith.addf %mul3A_345, %mul3A_350 : vector<2000xf32>
    %get3A_352 = arith.constant 6 : index
    %get3A_353 = arith.constant 2 : index
    %get3A_354 = memref.load %arg2[%get3A_352, %get3A_353] : memref<12x4xf32, #tpu.memory_space<smem>>
    %mul3A_355 = vector.broadcast %get3A_354 : f32 to vector<2000xf32>
    %mul3A_356 = arith.mulf %add3A_37, %mul3A_355 : vector<2000xf32>
    %add3A_357 = arith.addf %add3A_351, %mul3A_356 : vector<2000xf32>
    %get3A_358 = arith.constant 6 : index
    %get3A_359 = arith.constant 3 : index
    %get3A_360 = memref.load %arg2[%get3A_358, %get3A_359] : memref<12x4xf32, #tpu.memory_space<smem>>
    %add3A_361 = vector.broadcast %get3A_360 : f32 to vector<2000xf32>
    %add3A_362 = arith.addf %add3A_357, %add3A_361 : vector<2000xf32>
    %get3A_363 = arith.constant 7 : index
    %get3A_364 = arith.constant 0 : index
    %get3A_365 = memref.load %arg2[%get3A_363, %get3A_364] : memref<12x4xf32, #tpu.memory_space<smem>>
    %mul3A_366 = vector.broadcast %get3A_365 : f32 to vector<2000xf32>
    %mul3A_367 = arith.mulf %add3A_15, %mul3A_366 : vector<2000xf32>
    %get3A_368 = arith.constant 7 : index
    %get3A_369 = arith.constant 1 : index
    %get3A_370 = memref.load %arg2[%get3A_368, %get3A_369] : memref<12x4xf32, #tpu.memory_space<smem>>
    %mul3A_371 = vector.broadcast %get3A_370 : f32 to vector<2000xf32>
    %mul3A_372 = arith.mulf %add3A_26, %mul3A_371 : vector<2000xf32>
    %add3A_373 = arith.addf %mul3A_367, %mul3A_372 : vector<2000xf32>
    %get3A_374 = arith.constant 7 : index
    %get3A_375 = arith.constant 2 : index
    %get3A_376 = memref.load %arg2[%get3A_374, %get3A_375] : memref<12x4xf32, #tpu.memory_space<smem>>
    %mul3A_377 = vector.broadcast %get3A_376 : f32 to vector<2000xf32>
    %mul3A_378 = arith.mulf %add3A_37, %mul3A_377 : vector<2000xf32>
    %add3A_379 = arith.addf %add3A_373, %mul3A_378 : vector<2000xf32>
    %get3A_380 = arith.constant 7 : index
    %get3A_381 = arith.constant 3 : index
    %get3A_382 = memref.load %arg2[%get3A_380, %get3A_381] : memref<12x4xf32, #tpu.memory_space<smem>>
    %add3A_383 = vector.broadcast %get3A_382 : f32 to vector<2000xf32>
    %add3A_384 = arith.addf %add3A_379, %add3A_383 : vector<2000xf32>
    %get3A_385 = arith.constant 8 : index
    %get3A_386 = arith.constant 0 : index
    %get3A_387 = memref.load %arg2[%get3A_385, %get3A_386] : memref<12x4xf32, #tpu.memory_space<smem>>
    %mul3A_388 = vector.broadcast %get3A_387 : f32 to vector<2000xf32>
    %mul3A_389 = arith.mulf %add3A_15, %mul3A_388 : vector<2000xf32>
    %get3A_390 = arith.constant 8 : index
    %get3A_391 = arith.constant 1 : index
    %get3A_392 = memref.load %arg2[%get3A_390, %get3A_391] : memref<12x4xf32, #tpu.memory_space<smem>>
    %mul3A_393 = vector.broadcast %get3A_392 : f32 to vector<2000xf32>
    %mul3A_394 = arith.mulf %add3A_26, %mul3A_393 : vector<2000xf32>
    %add3A_395 = arith.addf %mul3A_389, %mul3A_394 : vector<2000xf32>
    %get3A_396 = arith.constant 8 : index
    %get3A_397 = arith.constant 2 : index
    %get3A_398 = memref.load %arg2[%get3A_396, %get3A_397] : memref<12x4xf32, #tpu.memory_space<smem>>
    %mul3A_399 = vector.broadcast %get3A_398 : f32 to vector<2000xf32>
    %mul3A_400 = arith.mulf %add3A_37, %mul3A_399 : vector<2000xf32>
    %add3A_401 = arith.addf %add3A_395, %mul3A_400 : vector<2000xf32>
    %get3A_402 = arith.constant 8 : index
    %get3A_403 = arith.constant 3 : index
    %get3A_404 = memref.load %arg2[%get3A_402, %get3A_403] : memref<12x4xf32, #tpu.memory_space<smem>>
    %add3A_405 = vector.broadcast %get3A_404 : f32 to vector<2000xf32>
    %add3A_406 = arith.addf %add3A_401, %add3A_405 : vector<2000xf32>
    %abs3A_407 = math.absf %add3A_406 : vector<2000xf32>
    %lt3A_408 = arith.constant 9.99999997E-7 : f32
    %lt3A_409 = vector.broadcast %lt3A_408 : f32 to vector<2000xf32>
    %lt3A_410 = arith.cmpf olt, %abs3A_407, %lt3A_409 : vector<2000xf32>
    %jit3A_411 = arith.constant 9.99999997E-7 : f32
    %broadcast_in_dim3A_412 = vector.broadcast %jit3A_411 : f32 to vector<2000xf32>
    %select_n3A_413 = arith.select %lt3A_410, %broadcast_in_dim3A_412, %add3A_406 : vector<2000xi1>, vector<2000xf32>
    %mul3A_414 = vector.broadcast %get3A_40 : f32 to vector<2000xf32>
    %mul3A_415 = arith.mulf %mul3A_414, %add3A_362 : vector<2000xf32>
    %div3A_416 = arith.divf %mul3A_415, %select_n3A_413 : vector<2000xf32>
    %add3A_417 = vector.broadcast %get3A_46 : f32 to vector<2000xf32>
    %add3A_418 = arith.addf %div3A_416, %add3A_417 : vector<2000xf32>
    %mul3A_419 = vector.broadcast %get3A_43 : f32 to vector<2000xf32>
    %mul3A_420 = arith.mulf %mul3A_419, %add3A_384 : vector<2000xf32>
    %div3A_421 = arith.divf %mul3A_420, %select_n3A_413 : vector<2000xf32>
    %add3A_422 = vector.broadcast %get3A_49 : f32 to vector<2000xf32>
    %add3A_423 = arith.addf %div3A_421, %add3A_422 : vector<2000xf32>
    %ge3A_424 = arith.constant 2.000000e+00 : f32
    %ge3A_425 = vector.broadcast %ge3A_424 : f32 to vector<2000xf32>
    %ge3A_426 = arith.cmpf oge, %add3A_406, %ge3A_425 : vector<2000xf32>
    %le3A_427 = arith.constant 8.000000e+01 : f32
    %le3A_428 = vector.broadcast %le3A_427 : f32 to vector<2000xf32>
    %le3A_429 = arith.cmpf ole, %add3A_406, %le3A_428 : vector<2000xf32>
    %and3A_430 = arith.andi %ge3A_426, %le3A_429 : vector<2000xi1>
    %ge3A_431 = arith.constant 0.000000e+00 : f32
    %ge3A_432 = vector.broadcast %ge3A_431 : f32 to vector<2000xf32>
    %ge3A_433 = arith.cmpf oge, %add3A_418, %ge3A_432 : vector<2000xf32>
    %and3A_434 = arith.andi %and3A_430, %ge3A_433 : vector<2000xi1>
    %lt3A_435 = arith.constant 2.560000e+02 : f32
    %lt3A_436 = vector.broadcast %lt3A_435 : f32 to vector<2000xf32>
    %lt3A_437 = arith.cmpf olt, %add3A_418, %lt3A_436 : vector<2000xf32>
    %and3A_438 = arith.andi %and3A_434, %lt3A_437 : vector<2000xi1>
    %ge3A_439 = arith.constant 0.000000e+00 : f32
    %ge3A_440 = vector.broadcast %ge3A_439 : f32 to vector<2000xf32>
    %ge3A_441 = arith.cmpf oge, %add3A_423, %ge3A_440 : vector<2000xf32>
    %and3A_442 = arith.andi %and3A_438, %ge3A_441 : vector<2000xi1>
    %lt3A_443 = arith.constant 1.920000e+02 : f32
    %lt3A_444 = vector.broadcast %lt3A_443 : f32 to vector<2000xf32>
    %lt3A_445 = arith.cmpf olt, %add3A_423, %lt3A_444 : vector<2000xf32>
    %and3A_446 = arith.andi %and3A_442, %lt3A_445 : vector<2000xi1>
    %jit3A_447 = arith.constant 0.000000e+00 : f32
    %jit3A_448 = arith.constant 2.550000e+02 : f32
    %max3A_449 = vector.broadcast %jit3A_447 : f32 to vector<2000xf32>
    %max3A_450 = arith.maximumf %max3A_449, %add3A_418 : vector<2000xf32>
    %min3A_451 = vector.broadcast %jit3A_448 : f32 to vector<2000xf32>
    %min3A_452 = arith.minimumf %min3A_451, %max3A_450 : vector<2000xf32>
    %floor3A_453 = math.floor %min3A_452 : vector<2000xf32>
    %convert_element_type3A_454 = arith.fptosi %floor3A_453 : vector<2000xf32> to vector<2000xi32>
    %jit3A_455 = arith.constant 0.000000e+00 : f32
    %jit3A_456 = arith.constant 1.910000e+02 : f32
    %max3A_457 = vector.broadcast %jit3A_455 : f32 to vector<2000xf32>
    %max3A_458 = arith.maximumf %max3A_457, %add3A_423 : vector<2000xf32>
    %min3A_459 = vector.broadcast %jit3A_456 : f32 to vector<2000xf32>
    %min3A_460 = arith.minimumf %min3A_459, %max3A_458 : vector<2000xf32>
    %floor3A_461 = math.floor %min3A_460 : vector<2000xf32>
    %convert_element_type3A_462 = arith.fptosi %floor3A_461 : vector<2000xf32> to vector<2000xi32>
    %mul3A_463 = arith.constant 256 : i32
    %mul3A_464 = vector.broadcast %mul3A_463 : i32 to vector<2000xi32>
    %mul3A_465 = arith.muli %convert_element_type3A_462, %mul3A_464 : vector<2000xi32>
    %add3A_466 = arith.constant 98304 : i32
    %add3A_467 = vector.broadcast %add3A_466 : i32 to vector<2000xi32>
    %add3A_468 = arith.addi %add3A_467, %mul3A_465 : vector<2000xi32>
    %add3A_469 = arith.addi %add3A_468, %convert_element_type3A_454 : vector<2000xi32>
    %iota3A_470 = tpu.iota {dimensions = array<i32: 1>} : vector<1x2000xi32>
    %iota3A_471 = vector.shape_cast %iota3A_470 : vector<1x2000xi32> to vector<2000xi32>
    %mul3A_472 = arith.constant 4 : i32
    %mul3A_473 = vector.broadcast %mul3A_472 : i32 to vector<2000xi32>
    %mul3A_474 = arith.muli %iota3A_471, %mul3A_473 : vector<2000xi32>
    %add3A_475 = arith.constant 2 : i32
    %add3A_476 = vector.broadcast %add3A_475 : i32 to vector<2000xi32>
    %add3A_477 = arith.addi %mul3A_474, %add3A_476 : vector<2000xi32>
    %and3A_478 = arith.constant 8191 : i32
    %and3A_479 = vector.broadcast %and3A_478 : i32 to vector<2000xi32>
    %and3A_480 = arith.andi %add3A_477, %and3A_479 : vector<2000xi32>
    %add3A_481 = arith.constant 196608 : i32
    %add3A_482 = vector.broadcast %add3A_481 : i32 to vector<2000xi32>
    %add3A_483 = arith.addi %add3A_482, %and3A_480 : vector<2000xi32>
    %select_n3A_484 = arith.select %and3A_446, %add3A_469, %add3A_483 : vector<2000xi1>, vector<2000xi32>
    %swap3A_485 = arith.constant 0 : index
    %swap3A_486 = arith.constant 2 : index
    %swap3A_487 = arith.constant 0 : index
    %swap3A_488 = vector.load %arg7[%swap3A_485, %swap3A_486, %swap3A_487] : memref<1x4x2000xi32, #tpu.memory_space<vmem>>, vector<1x1x2000xi32>
    %swap3A_489 = vector.shape_cast %swap3A_488 : vector<1x1x2000xi32> to vector<2000xi32>
    %swap3A_490 = vector.shape_cast %select_n3A_484 : vector<2000xi32> to vector<1x1x2000xi32>
    tpu.vector_store %arg7[%swap3A_485, %swap3A_486, %swap3A_487], %swap3A_490 {strides = array<i32>} : memref<1x4x2000xi32, #tpu.memory_space<vmem>>, vector<1x1x2000xi32>,
    %convert_element_type3A_491 = arith.extui %and3A_446 : vector<2000xi1> to vector<2000xi32>
    %add3A_492 = arith.addi %add3A_340, %convert_element_type3A_491 : vector<2000xi32>
    %get3A_493 = arith.constant 9 : index
    %get3A_494 = arith.constant 0 : index
    %get3A_495 = memref.load %arg2[%get3A_493, %get3A_494] : memref<12x4xf32, #tpu.memory_space<smem>>
    %mul3A_496 = vector.broadcast %get3A_495 : f32 to vector<2000xf32>
    %mul3A_497 = arith.mulf %add3A_15, %mul3A_496 : vector<2000xf32>
    %get3A_498 = arith.constant 9 : index
    %get3A_499 = arith.constant 1 : index
    %get3A_500 = memref.load %arg2[%get3A_498, %get3A_499] : memref<12x4xf32, #tpu.memory_space<smem>>
    %mul3A_501 = vector.broadcast %get3A_500 : f32 to vector<2000xf32>
    %mul3A_502 = arith.mulf %add3A_26, %mul3A_501 : vector<2000xf32>
    %add3A_503 = arith.addf %mul3A_497, %mul3A_502 : vector<2000xf32>
    %get3A_504 = arith.constant 9 : index
    %get3A_505 = arith.constant 2 : index
    %get3A_506 = memref.load %arg2[%get3A_504, %get3A_505] : memref<12x4xf32, #tpu.memory_space<smem>>
    %mul3A_507 = vector.broadcast %get3A_506 : f32 to vector<2000xf32>
    %mul3A_508 = arith.mulf %add3A_37, %mul3A_507 : vector<2000xf32>
    %add3A_509 = arith.addf %add3A_503, %mul3A_508 : vector<2000xf32>
    %get3A_510 = arith.constant 9 : index
    %get3A_511 = arith.constant 3 : index
    %get3A_512 = memref.load %arg2[%get3A_510, %get3A_511] : memref<12x4xf32, #tpu.memory_space<smem>>
    %add3A_513 = vector.broadcast %get3A_512 : f32 to vector<2000xf32>
    %add3A_514 = arith.addf %add3A_509, %add3A_513 : vector<2000xf32>
    %get3A_515 = arith.constant 10 : index
    %get3A_516 = arith.constant 0 : index
    %get3A_517 = memref.load %arg2[%get3A_515, %get3A_516] : memref<12x4xf32, #tpu.memory_space<smem>>
    %mul3A_518 = vector.broadcast %get3A_517 : f32 to vector<2000xf32>
    %mul3A_519 = arith.mulf %add3A_15, %mul3A_518 : vector<2000xf32>
    %get3A_520 = arith.constant 10 : index
    %get3A_521 = arith.constant 1 : index
    %get3A_522 = memref.load %arg2[%get3A_520, %get3A_521] : memref<12x4xf32, #tpu.memory_space<smem>>
    %mul3A_523 = vector.broadcast %get3A_522 : f32 to vector<2000xf32>
    %mul3A_524 = arith.mulf %add3A_26, %mul3A_523 : vector<2000xf32>
    %add3A_525 = arith.addf %mul3A_519, %mul3A_524 : vector<2000xf32>
    %get3A_526 = arith.constant 10 : index
    %get3A_527 = arith.constant 2 : index
    %get3A_528 = memref.load %arg2[%get3A_526, %get3A_527] : memref<12x4xf32, #tpu.memory_space<smem>>
    %mul3A_529 = vector.broadcast %get3A_528 : f32 to vector<2000xf32>
    %mul3A_530 = arith.mulf %add3A_37, %mul3A_529 : vector<2000xf32>
    %add3A_531 = arith.addf %add3A_525, %mul3A_530 : vector<2000xf32>
    %get3A_532 = arith.constant 10 : index
    %get3A_533 = arith.constant 3 : index
    %get3A_534 = memref.load %arg2[%get3A_532, %get3A_533] : memref<12x4xf32, #tpu.memory_space<smem>>
    %add3A_535 = vector.broadcast %get3A_534 : f32 to vector<2000xf32>
    %add3A_536 = arith.addf %add3A_531, %add3A_535 : vector<2000xf32>
    %get3A_537 = arith.constant 11 : index
    %get3A_538 = arith.constant 0 : index
    %get3A_539 = memref.load %arg2[%get3A_537, %get3A_538] : memref<12x4xf32, #tpu.memory_space<smem>>
    %mul3A_540 = vector.broadcast %get3A_539 : f32 to vector<2000xf32>
    %mul3A_541 = arith.mulf %add3A_15, %mul3A_540 : vector<2000xf32>
    %get3A_542 = arith.constant 11 : index
    %get3A_543 = arith.constant 1 : index
    %get3A_544 = memref.load %arg2[%get3A_542, %get3A_543] : memref<12x4xf32, #tpu.memory_space<smem>>
    %mul3A_545 = vector.broadcast %get3A_544 : f32 to vector<2000xf32>
    %mul3A_546 = arith.mulf %add3A_26, %mul3A_545 : vector<2000xf32>
    %add3A_547 = arith.addf %mul3A_541, %mul3A_546 : vector<2000xf32>
    %get3A_548 = arith.constant 11 : index
    %get3A_549 = arith.constant 2 : index
    %get3A_550 = memref.load %arg2[%get3A_548, %get3A_549] : memref<12x4xf32, #tpu.memory_space<smem>>
    %mul3A_551 = vector.broadcast %get3A_550 : f32 to vector<2000xf32>
    %mul3A_552 = arith.mulf %add3A_37, %mul3A_551 : vector<2000xf32>
    %add3A_553 = arith.addf %add3A_547, %mul3A_552 : vector<2000xf32>
    %get3A_554 = arith.constant 11 : index
    %get3A_555 = arith.constant 3 : index
    %get3A_556 = memref.load %arg2[%get3A_554, %get3A_555] : memref<12x4xf32, #tpu.memory_space<smem>>
    %add3A_557 = vector.broadcast %get3A_556 : f32 to vector<2000xf32>
    %add3A_558 = arith.addf %add3A_553, %add3A_557 : vector<2000xf32>
    %abs3A_559 = math.absf %add3A_558 : vector<2000xf32>
    %lt3A_560 = arith.constant 9.99999997E-7 : f32
    %lt3A_561 = vector.broadcast %lt3A_560 : f32 to vector<2000xf32>
    %lt3A_562 = arith.cmpf olt, %abs3A_559, %lt3A_561 : vector<2000xf32>
    %jit3A_563 = arith.constant 9.99999997E-7 : f32
    %broadcast_in_dim3A_564 = vector.broadcast %jit3A_563 : f32 to vector<2000xf32>
    %select_n3A_565 = arith.select %lt3A_562, %broadcast_in_dim3A_564, %add3A_558 : vector<2000xi1>, vector<2000xf32>
    %mul3A_566 = vector.broadcast %get3A_40 : f32 to vector<2000xf32>
    %mul3A_567 = arith.mulf %mul3A_566, %add3A_514 : vector<2000xf32>
    %div3A_568 = arith.divf %mul3A_567, %select_n3A_565 : vector<2000xf32>
    %add3A_569 = vector.broadcast %get3A_46 : f32 to vector<2000xf32>
    %add3A_570 = arith.addf %div3A_568, %add3A_569 : vector<2000xf32>
    %mul3A_571 = vector.broadcast %get3A_43 : f32 to vector<2000xf32>
    %mul3A_572 = arith.mulf %mul3A_571, %add3A_536 : vector<2000xf32>
    %div3A_573 = arith.divf %mul3A_572, %select_n3A_565 : vector<2000xf32>
    %add3A_574 = vector.broadcast %get3A_49 : f32 to vector<2000xf32>
    %add3A_575 = arith.addf %div3A_573, %add3A_574 : vector<2000xf32>
    %ge3A_576 = arith.constant 2.000000e+00 : f32
    %ge3A_577 = vector.broadcast %ge3A_576 : f32 to vector<2000xf32>
    %ge3A_578 = arith.cmpf oge, %add3A_558, %ge3A_577 : vector<2000xf32>
    %le3A_579 = arith.constant 8.000000e+01 : f32
    %le3A_580 = vector.broadcast %le3A_579 : f32 to vector<2000xf32>
    %le3A_581 = arith.cmpf ole, %add3A_558, %le3A_580 : vector<2000xf32>
    %and3A_582 = arith.andi %ge3A_578, %le3A_581 : vector<2000xi1>
    %ge3A_583 = arith.constant 0.000000e+00 : f32
    %ge3A_584 = vector.broadcast %ge3A_583 : f32 to vector<2000xf32>
    %ge3A_585 = arith.cmpf oge, %add3A_570, %ge3A_584 : vector<2000xf32>
    %and3A_586 = arith.andi %and3A_582, %ge3A_585 : vector<2000xi1>
    %lt3A_587 = arith.constant 2.560000e+02 : f32
    %lt3A_588 = vector.broadcast %lt3A_587 : f32 to vector<2000xf32>
    %lt3A_589 = arith.cmpf olt, %add3A_570, %lt3A_588 : vector<2000xf32>
    %and3A_590 = arith.andi %and3A_586, %lt3A_589 : vector<2000xi1>
    %ge3A_591 = arith.constant 0.000000e+00 : f32
    %ge3A_592 = vector.broadcast %ge3A_591 : f32 to vector<2000xf32>
    %ge3A_593 = arith.cmpf oge, %add3A_575, %ge3A_592 : vector<2000xf32>
    %and3A_594 = arith.andi %and3A_590, %ge3A_593 : vector<2000xi1>
    %lt3A_595 = arith.constant 1.920000e+02 : f32
    %lt3A_596 = vector.broadcast %lt3A_595 : f32 to vector<2000xf32>
    %lt3A_597 = arith.cmpf olt, %add3A_575, %lt3A_596 : vector<2000xf32>
    %and3A_598 = arith.andi %and3A_594, %lt3A_597 : vector<2000xi1>
    %jit3A_599 = arith.constant 0.000000e+00 : f32
    %jit3A_600 = arith.constant 2.550000e+02 : f32
    %max3A_601 = vector.broadcast %jit3A_599 : f32 to vector<2000xf32>
    %max3A_602 = arith.maximumf %max3A_601, %add3A_570 : vector<2000xf32>
    %min3A_603 = vector.broadcast %jit3A_600 : f32 to vector<2000xf32>
    %min3A_604 = arith.minimumf %min3A_603, %max3A_602 : vector<2000xf32>
    %floor3A_605 = math.floor %min3A_604 : vector<2000xf32>
    %convert_element_type3A_606 = arith.fptosi %floor3A_605 : vector<2000xf32> to vector<2000xi32>
    %jit3A_607 = arith.constant 0.000000e+00 : f32
    %jit3A_608 = arith.constant 1.910000e+02 : f32
    %max3A_609 = vector.broadcast %jit3A_607 : f32 to vector<2000xf32>
    %max3A_610 = arith.maximumf %max3A_609, %add3A_575 : vector<2000xf32>
    %min3A_611 = vector.broadcast %jit3A_608 : f32 to vector<2000xf32>
    %min3A_612 = arith.minimumf %min3A_611, %max3A_610 : vector<2000xf32>
    %floor3A_613 = math.floor %min3A_612 : vector<2000xf32>
    %convert_element_type3A_614 = arith.fptosi %floor3A_613 : vector<2000xf32> to vector<2000xi32>
    %mul3A_615 = arith.constant 256 : i32
    %mul3A_616 = vector.broadcast %mul3A_615 : i32 to vector<2000xi32>
    %mul3A_617 = arith.muli %convert_element_type3A_614, %mul3A_616 : vector<2000xi32>
    %add3A_618 = arith.constant 147456 : i32
    %add3A_619 = vector.broadcast %add3A_618 : i32 to vector<2000xi32>
    %add3A_620 = arith.addi %add3A_619, %mul3A_617 : vector<2000xi32>
    %add3A_621 = arith.addi %add3A_620, %convert_element_type3A_606 : vector<2000xi32>
    %iota3A_622 = tpu.iota {dimensions = array<i32: 1>} : vector<1x2000xi32>
    %iota3A_623 = vector.shape_cast %iota3A_622 : vector<1x2000xi32> to vector<2000xi32>
    %mul3A_624 = arith.constant 4 : i32
    %mul3A_625 = vector.broadcast %mul3A_624 : i32 to vector<2000xi32>
    %mul3A_626 = arith.muli %iota3A_623, %mul3A_625 : vector<2000xi32>
    %add3A_627 = arith.constant 3 : i32
    %add3A_628 = vector.broadcast %add3A_627 : i32 to vector<2000xi32>
    %add3A_629 = arith.addi %mul3A_626, %add3A_628 : vector<2000xi32>
    %and3A_630 = arith.constant 8191 : i32
    %and3A_631 = vector.broadcast %and3A_630 : i32 to vector<2000xi32>
    %and3A_632 = arith.andi %add3A_629, %and3A_631 : vector<2000xi32>
    %add3A_633 = arith.constant 196608 : i32
    %add3A_634 = vector.broadcast %add3A_633 : i32 to vector<2000xi32>
    %add3A_635 = arith.addi %add3A_634, %and3A_632 : vector<2000xi32>
    %select_n3A_636 = arith.select %and3A_598, %add3A_621, %add3A_635 : vector<2000xi1>, vector<2000xi32>
    %swap3A_637 = arith.constant 0 : index
    %swap3A_638 = arith.constant 3 : index
    %swap3A_639 = arith.constant 0 : index
    %swap3A_640 = vector.load %arg7[%swap3A_637, %swap3A_638, %swap3A_639] : memref<1x4x2000xi32, #tpu.memory_space<vmem>>, vector<1x1x2000xi32>
    %swap3A_641 = vector.shape_cast %swap3A_640 : vector<1x1x2000xi32> to vector<2000xi32>
    %swap3A_642 = vector.shape_cast %select_n3A_636 : vector<2000xi32> to vector<1x1x2000xi32>
    tpu.vector_store %arg7[%swap3A_637, %swap3A_638, %swap3A_639], %swap3A_642 {strides = array<i32>} : memref<1x4x2000xi32, #tpu.memory_space<vmem>>, vector<1x1x2000xi32>,
    %convert_element_type3A_643 = arith.extui %and3A_598 : vector<2000xi1> to vector<2000xi32>
    %add3A_644 = arith.addi %add3A_492, %convert_element_type3A_643 : vector<2000xi32>
    %swap3A_645 = arith.constant 0 : index
    %swap3A_646 = arith.constant 0 : index
    %swap3A_647 = arith.constant 0 : index
    %swap3A_648 = vector.load %arg8[%swap3A_645, %swap3A_646, %swap3A_647] : memref<1x1x2000xi32, #tpu.memory_space<vmem>>, vector<1x1x2000xi32>
    %swap3A_649 = vector.shape_cast %swap3A_648 : vector<1x1x2000xi32> to vector<2000xi32>
    %swap3A_650 = vector.shape_cast %add3A_644 : vector<2000xi32> to vector<1x1x2000xi32>
    tpu.vector_store %arg8[%swap3A_645, %swap3A_646, %swap3A_647], %swap3A_650 {strides = array<i32>} : memref<1x1x2000xi32, #tpu.memory_space<vmem>>, vector<1x1x2000xi32>,
    %convert_element_type3A_651 = arith.sitofp %add3A_644 : vector<2000xi32> to vector<2000xf32>
    %add3A_652 = arith.constant 9.99999974E-5 : f32
    %add3A_653 = vector.broadcast %add3A_652 : f32 to vector<2000xf32>
    %add3A_654 = arith.addf %convert_element_type3A_651, %add3A_653 : vector<2000xf32>
    %div3A_655 = arith.constant 1.000000e+00 : f32
    %div3A_656 = vector.broadcast %div3A_655 : f32 to vector<2000xf32>
    %div3A_657 = arith.divf %div3A_656, %add3A_654 : vector<2000xf32>
    %swap3A_658 = arith.constant 0 : index
    %swap3A_659 = arith.constant 0 : index
    %swap3A_660 = arith.constant 0 : index
    %swap3A_661 = vector.load %arg9[%swap3A_658, %swap3A_659, %swap3A_660] : memref<1x1x2000xf32, #tpu.memory_space<vmem>>, vector<1x1x2000xf32>
    %swap3A_662 = vector.shape_cast %swap3A_661 : vector<1x1x2000xf32> to vector<2000xf32>
    %swap3A_663 = vector.shape_cast %div3A_657 : vector<2000xf32> to vector<1x1x2000xf32>
    tpu.vector_store %arg9[%swap3A_658, %swap3A_659, %swap3A_660], %swap3A_663 {strides = array<i32>} : memref<1x1x2000xf32, #tpu.memory_space<vmem>>, vector<1x1x2000xf32>,
    return
  }
  func.func @transform_0(%arg0: i32) -> (i32, i32) {
    %c0_i32 = arith.constant 0 : i32
    %c0_i32_0 = arith.constant 0 : i32
    %c0_i32_1 = arith.constant 0 : i32
    return %c0_i32, %c0_i32_0 : i32, i32
  }
  func.func @transform_1(%arg0: i32) -> (i32, i32) {
    %c0_i32 = arith.constant 0 : i32
    %c0_i32_0 = arith.constant 0 : i32
    %c0_i32_1 = arith.constant 0 : i32
    return %c0_i32, %c0_i32_0 : i32, i32
  }
  func.func @transform_2(%arg0: i32) -> (i32, i32) {
    %c0_i32 = arith.constant 0 : i32
    %c0_i32_0 = arith.constant 0 : i32
    %c0_i32_1 = arith.constant 0 : i32
    return %c0_i32, %c0_i32_0 : i32, i32
  }
  func.func @transform_3(%arg0: i32) -> (i32, i32, i32) {
    %c0_i32 = arith.constant 0 : i32
    %c0_i32_0 = arith.constant 0 : i32
    %c0_i32_1 = arith.constant 0 : i32
    return %arg0, %c0_i32, %c0_i32_0 : i32, i32, i32
  }
  func.func @transform_4(%arg0: i32) -> (i32, i32, i32) {
    %c0_i32 = arith.constant 0 : i32
    %c0_i32_0 = arith.constant 0 : i32
    %c0_i32_1 = arith.constant 0 : i32
    return %arg0, %c0_i32, %c0_i32_0 : i32, i32, i32
  }
  func.func @transform_5(%arg0: i32) -> (i32, i32, i32) {
    %c0_i32 = arith.constant 0 : i32
    %c0_i32_0 = arith.constant 0 : i32
    %c0_i32_1 = arith.constant 0 : i32
    return %arg0, %c0_i32, %c0_i32_0 : i32, i32, i32
  }
  func.func @transform_6(%arg0: i32) -> (i32, i32, i32) {
    %c0_i32 = arith.constant 0 : i32
    %c0_i32_0 = arith.constant 0 : i32
    %c0_i32_1 = arith.constant 0 : i32
    return %arg0, %c0_i32, %c0_i32_0 : i32, i32, i32
  }
  func.func @transform_7(%arg0: i32) -> (i32, i32, i32) {
    %c0_i32 = arith.constant 0 : i32
    %c0_i32_0 = arith.constant 0 : i32
    %c0_i32_1 = arith.constant 0 : i32
    return %arg0, %c0_i32, %c0_i32_0 : i32, i32, i32
  }
  func.func @transform_8(%arg0: i32) -> (i32, i32, i32) {
    %c0_i32 = arith.constant 0 : i32
    %c0_i32_0 = arith.constant 0 : i32
    %c0_i32_1 = arith.constant 0 : i32
    return %arg0, %c0_i32, %c0_i32_0 : i32, i32, i32
  }
}

</mosaic_0001>

<sc_bundles>
// kernel: kernel.5.cloned.1.call-start
scs
__scs_entry_jumppad:
0x0: {  	(pc) =	sbr.rel $0x88, $3  }
0x1: {  	(tag) =	ssettag $0x0;
	lr =	simm.s32 $0x1  }
0x2: {  	[smem:$0x3F9D] =	sst lr;
	_ =	strace $0xD0000000  }
0x3: {  	_ = 	snop  }
0x4: {  	_ = 	snop  }
0x5: {  	_ = 	snop  }
0x6: {  	_ = 	snop  }
0x7: {  	_ = 	snop  }
__scs_overlays_trampoline_lowered:
0x8: {  	[smem:$0x3FAC] =	sst s0  }
0x9: {  	[smem:$0x3FAD] =	sst s1  }
0xa: {  	[smem:$0x3FAE] =	sst s2  }
0xb: {  	[smem:$0x3FAF] =	sst s3  }
0xc: {  	[smem:$0x3FB0] =	sst s4  }
0xd: {  	[smem:$0x3FB1] =	sst s5  }
0xe: {  	[smem:$0x3FB2] =	sst s6  }
0xf: {  	[smem:$0x3FB3] =	sst s7  }
0x10: {  	[smem:$0x3FB4] =	sst s8  }
0x11: {  	[smem:$0x3FB5] =	sst s9;
	s0 =	simm.s32 @!p0 $0x0  }
0x12: {  	s1 =	sld [smem:$0x3F9B];
	s0 =	simm.s32 @p0 $0x1  }
0x13: {  	[smem:$0x3FB6] =	sst s0;
	s0 =	simm.s32 @!p1 $0x0  }
0x14: {  	s2 =	sld [smem:$0x3F9A];
	s0 =	simm.s32 @p1 $0x1  }
0x15: {  	[smem:$0x3FB7] =	sst s0;
	s0 =	simm.s32 @!p2 $0x0  }
0x16: {  	s3 =	sld [smem:$0x3FDB];
	s0 =	simm.s32 @p2 $0x1  }
0x17: {  	s4 =	simm.s32 $0x1BF5;
	[smem:$0x3FB9] =	sst s0  }
0x18: {  	s0 =	sld [smem:$0x3F9C];
	_ =	swait.ge [sflag:s4], $0x0  }
0x19: {  	s7 =	sld [smem:$0x3F9D]  }
0x1a: {  	s8 =	sadd.s32 $0xFFFFE003, lr  }
0x1b: {  	s9 =	sadd.s32 $0xFFFFFEF7, lr;
	s5 =	simm.s32 $0xFFFFFFFF;
	p2 =	slt.u32 s8, $0xFFFFF086  }
0x1c: {  	p1 =	slt.u32 s9, $0xF7A;
	s5 =	simm.s32 @!p2 $0x0  }
0x1d: {  	s5 =	simm.s32 @p1 $0x1;
	p0 =	seq.s32 s7, s2  }
0x1e: {  	s7 =	smul.u32 @!p0 $0xF7A, s2;
	p2 =	seq.s32 @!p0 s5, $0x0  }
0x1f: {  	s9 =	smul.u32 $0xF7A, s1;
	s8 =	simm.s32 @!p0 $0x1BF5;
	p2 =	por !p2, p0  }
0x20: {  	[sflag:s8] =	ssyncset.s32 @!p0 $0xFFFFF086;
	s6 =	sadd.s32 @!p0 s3, s7;
	s7 =	simm.s32 @!p0 $0x108  }
0x21: {  	s3 =	sadd.s32 s3, s9;
	s6 =	sadd.s32 @!p0 $0x88, s6;
	s7 =	simm.s32 @p2 $0x1082  }
0x22: {  	[simem:s7], [sflag:s8] =	dma.local @!p0 [hbm:s6], $0xF7A  }
0x23: {  	s9 =	sor.u32 $0xD0000000, s2;
	s6 =	simm.s32 $0x108;
	_ =	swait.ge @!p0 [sflag:s8], $0x0  }
0x24: {  	s3 =	sadd.s32 $0x88, s3;
	s6 =	simm.s32 @!p1 $0x1082;
	[sflag:s4] =	ssyncset.s32 $0xFFFFF086  }
0x25: {  	[simem:s6], [sflag:s4] =	dma.local [hbm:s3], $0xF7A  }
0x26: {  	[smem:$0x3F9D] =	sst s1;
	(tag) =	ssettag s2;
	_ =	strace s9  }
0x27: {  	s1 =	sld [smem:$0x3FAD]  }
0x28: {  	s2 =	sld [smem:$0x3FAE]  }
0x29: {  	s4 =	sld [smem:$0x3FB0]  }
0x2a: {  	p0 =	seq.s32 s5, $0x0;
	s5 =	sld [smem:$0x3FB1]  }
0x2b: {  	s6 =	sld [smem:$0x3FB2]  }
0x2c: {  	s7 =	sld [smem:$0x3FB3]  }
0x2d: {  	s3 =	simm.s32 $0x108;
	s8 =	sld [smem:$0x3FB4]  }
0x2e: {  	s3 =	simm.s32 @!p0 $0x1082;
	s9 =	sld [smem:$0x3FB5]  }
0x2f: {  	lr =	sadd.s32 s0, s3;
	s0 =	sld [smem:$0x3FAC]  }
0x30: {  	s3 =	sld [smem:$0x3FAF]  }
0x31: {  	[smem:$0x3FB8] =	sst s10  }
0x32: {  	s10 =	sld [smem:$0x3FB6];
	_ =	sdelay $0x3  }
0x33: {  	p0 =	seq.s32 s10, $0x1;
	s10 =	sld [smem:$0x3FB8];
	_ =	sdelay $0x3  }
0x34: {  	[smem:$0x3FB8] =	sst s10  }
0x35: {  	s10 =	sld [smem:$0x3FB7];
	_ =	sdelay $0x3  }
0x36: {  	p1 =	seq.s32 s10, $0x1;
	s10 =	sld [smem:$0x3FB8];
	_ =	sdelay $0x3  }
0x37: {  	[smem:$0x3FB8] =	sst s10  }
0x38: {  	s10 =	sld [smem:$0x3FB9]  }
0x39: {  	_ = 	snop;
	(pc) =	sbr.ind lr, $3  }
0x3a: {  	_ = 	snop  }
0x3b: {  	_ = 	snop  }
0x3c: {  	p2 =	seq.s32 s10, $0x1;
	s10 =	sld [smem:$0x3FB8]  }
0x3d: {  	_ =	shalt  }
0x3e: {  	_ =	shalt  }
0x3f: {  	_ =	shalt  }
0x40: {  	_ =	shalt  }
0x41: {  	_ =	shalt  }
0x42: {  	_ =	shalt  }
0x43: {  	_ =	shalt  }
0x44: {  	_ =	shalt  }
0x45: {  	_ =	shalt  }
0x46: {  	_ =	shalt  }
0x47: {  	_ =	shalt  }
0x48: {  	_ =	shalt  }
0x49: {  	_ =	shalt  }
0x4a: {  	_ =	shalt  }
0x4b: {  	_ =	shalt  }
0x4c: {  	_ =	shalt  }
0x4d: {  	_ =	shalt  }
0x4e: {  	_ =	shalt  }
0x4f: {  	_ =	shalt  }
0x50: {  	_ =	shalt  }
0x51: {  	_ =	shalt  }
0x52: {  	_ =	shalt  }
0x53: {  	_ =	shalt  }
0x54: {  	_ =	shalt  }
0x55: {  	_ =	shalt  }
0x56: {  	_ =	shalt  }
0x57: {  	_ =	shalt  }
0x58: {  	_ =	shalt  }
0x59: {  	_ =	shalt  }
0x5a: {  	_ =	shalt  }
0x5b: {  	_ =	shalt  }
0x5c: {  	_ =	shalt  }
0x5d: {  	_ =	shalt  }
0x5e: {  	_ =	shalt  }
0x5f: {  	_ =	shalt  }
0x60: {  	_ =	shalt  }
0x61: {  	_ =	shalt  }
0x62: {  	_ =	shalt  }
0x63: {  	_ =	shalt  }
0x64: {  	_ =	shalt  }
0x65: {  	_ =	shalt  }
0x66: {  	_ =	shalt  }
0x67: {  	_ =	shalt  }
0x68: {  	_ =	shalt  }
0x69: {  	_ =	shalt  }
0x6a: {  	_ =	shalt  }
0x6b: {  	_ =	shalt  }
0x6c: {  	_ =	shalt  }
0x6d: {  	_ =	shalt  }
0x6e: {  	_ =	shalt  }
0x6f: {  	_ =	shalt  }
0x70: {  	_ =	shalt  }
0x71: {  	_ =	shalt  }
0x72: {  	_ =	shalt  }
0x73: {  	_ =	shalt  }
0x74: {  	_ =	shalt  }
0x75: {  	_ =	shalt  }
0x76: {  	_ =	shalt  }
0x77: {  	_ =	shalt  }
0x78: {  	_ =	shalt  }
0x79: {  	_ =	shalt  }
0x7a: {  	_ =	shalt  }
0x7b: {  	_ =	shalt  }
0x7c: {  	_ =	shalt  }
0x7d: {  	_ =	shalt  }
0x7e: {  	_ =	shalt  }
0x7f: {  	_ =	shalt  }
0x80: {  	_ =	shalt  }
0x81: {  	_ =	shalt  }
0x82: {  	_ =	shalt  }
0x83: {  	_ =	shalt  }
0x84: {  	_ =	shalt  }
0x85: {  	_ =	shalt  }
0x86: {  	_ =	shalt  }
0x87: {  	_ =	shalt  }
.Lfunc_end0:
.L_simem_size_0:
called_computation_lowered:
.L_overlay_start_0:
0x88: {  	s2 =	sld [smem:$0x3FD9]  }
0x89: {  	s3 =	sld [smem:$0x3FFE];
	_ =	sdelay $0x1  }
0x8a: {  	s1 =	srdreg.scid  }
0x8b: {  	s0 =	sand.u32 $0x1, s1  }
0x8c: {  	s14 =	sshll.u32 s0, $0xA;
	s2 =	sadd.s32 s3, s2  }
0x8d: {  	s2 =	sadd.s32 s2, s14  }
0x8e: {  	[smem:$0x3FC4] =	sst s2  }
0x8f: {  	_ = 	snop  }
0x90: {  	s2 =	sld [smem:$0x3FD0];
	_ =	sdelay $0x2  }
0x91: {  	s15 =	simm.s32 $0xA;
	s4 =	simm.s32 $0x10  }
0x92: {  	[smem:s4], [sflag:s15] =	dma.local [hbm:s2], $0x1  }
0x93: {  	_ =	swait.eq [sflag:s15], $0x1  }
0x94: {  	[sflag:s15] =	ssyncset.done $0x0  }
0x95: {  	[sflag:s15] =	ssyncadd.s32 $0xFFFFFFFF  }
0x96: {  	s16 =	sld [smem:$0x10];
	(tm) =	ssettm $0x1  }
0x97: {  	s17 =	sld [smem:$0x3FFB];
	_ =	sdelay $0x3  }
0x98: {  	_ =	strace s17  }
0x99: {  	s3 =	sld [smem:$0x3FFC];
	_ =	sdelay $0x3  }
0x9a: {  	_ =	strace s3  }
0x9b: {  	s3 =	sld [smem:$0x3FFD];
	_ =	sdelay $0x3  }
0x9c: {  	_ =	strace s3  }
0x9d: {  	_ =	strace $0x8FFFFFFF  }
0x9e: {  	s18 =	sld [smem:$0x3FDB];
	_ =	sdelay $0x1  }
0x9f: {  	s19 =	simm.s32 $_scs_section_size  }
0xa0: {  	s5 =	simm.s32 $_size__tile_overlayer_lowered;
	s6 =	simm.s32 $_tile_overlayer_lowered  }
0xa1: {  	s22 =	simm.s32 $0x1BFF;
	s21 =	sshll.u32 s6, $0x1;
	s3 =	sadd.s32 s19, s18  }
0xa2: {  	s7 =	simm.s32 $0x0;
	s20 =	sshll.u32 s5, $0x1;
	s5 =	sadd.s32 s21, s3  }
0xa3: {  	[timem:s7], [sflag:s22] =	dma.local [hbm:s5], s20  }
0xa4: {  	_ =	swait.ge [sflag:s22], s20  }
0xa5: {  	s4 =	ssub.s32 $0x0, s20;
	[sflag:s22] =	ssyncset.done $0x0  }
0xa6: {  	[sflag:s22] =	ssyncadd.s32 s4;
	_ =	sdelay $0x1  }
0xa7: {  	s23 =	simm.s32 $0x1B8B  }
0xa8: {  	_ =	swait.ge [sflag:s23], $0x1  }
0xa9: {  	[sflag:s23] =	ssyncset.done $0x0  }
0xaa: {  	s25 =	simm.s32 $0x1B8E;
	s24 =	sld [smem:$0x3FFE];
	[sflag:s23] =	ssyncadd.s32 $0xFFFFFFFF  }
0xab: {  	s26 =	simm.s32 $execute0_lowered;
	[smem:$0x3FD2] =	sst s25  }
0xac: {  	s5 =	sshll.u32 s26, $0x1;
	_ =	strace $0x80000046;
	[dreg:$0x1] =	wrdreg $0xFFFFFFFF  }
0xad: {  	s28 =	simm.s32 $_size_execute0_lowered;
	s3 =	sadd.s32 s3, s5;
	[dreg:$0x0] =	wrdreg $0x0  }
0xae: {  	s5 =	sshll.u32 s28, $0x1;
	[dreg:$0x2] =	wrdreg s3  }
0xaf: {  	[dreg:$0x3] =	wrdreg s5  }
0xb0: {  	[dreg:$0x4] =	wrdreg $0xC0  }
0xb1: {  	_ =	task [dreg:s7], $0x5FFFF  }
0xb2: {  	[dreg:$0x1] =	wrdreg $0xFFFFFFFF  }
0xb3: {  	[dreg:$0x0] =	wrdreg $0x60  }
0xb4: {  	[dreg:$0x2] =	wrdreg s24  }
0xb5: {  	[dreg:$0x3] =	wrdreg s16  }
0xb6: {  	[dreg:$0x4] =	wrdreg $0x9  }
0xb7: {  	_ =	task.clear_ibuf [dreg:s7], $0x5FFFF;
	_ =	strace $0x90000046  }
0xb8: {  	s29 =	simm.s32 $0x9;
	_ =	strace $0x80000051  }
0xb9: {  	_ =	swait.ge [sflag:s29], $0x1  }
0xba: {  	[sflag:s29] =	ssyncadd.s32 $0xFFFFFFFF  }
0xbb: {  	_ =	strace $0x90000051  }
0xbc: {  	_ =	sfence  }
0xbd: {  	s30 =	sld [smem:$0x0];
	_ =	sdelay $0x2  }
0xbe: {  	s31 =	sshll.u32 s1, $0xD;
	s1 =	sshrl.u32 s1, $0x2  }
0xbf: {  	s3 =	sand.u32 $0x4000, s31;
	s1 =	sadd.s32 s1, s30  }
0xc0: {  	s0 =	sor.u32 s3, s0;
	s1 =	sshll.u32 s1, $0x11  }
0xc1: {  	s0 =	sor.u32 s1, s0  }
0xc2: {  	s0 =	sadd.s32 $0x8F2B, s0  }
0xc3: {  	[sflag:s0] =	ssyncadd.remote.s32 $0x1  }
0xc4: {  	_ =	sfence.sel $0xFFFF  }
0xc5: {  	[dreg:$0x0] =	wrdreg $0xFFFFFFFF;
	(pc) =	sbr.abs _section_cstart, $3  }
0xc6: {  	[dreg:$0x1] =	wrdreg $0xFFFFFFFF  }
0xc7: {  	_ =	task.clear_ibuf [dreg:s7], $0x2FFFF;
	_ =	strace $0x9FFFFFFF  }
0xc8: {  	(tm) =	ssettm $0x7FFFFFFF  }
0xc9: {  	_ =	shalt  }
tec
execute0_lowered:
.L_overlay_start_1:
0x0: {  	(tag) =	ssettag $0x1  }
0x1: {  	s1 =	rddreg [dreg:$0x0]  }
0x2: {  	s2 =	rddreg [dreg:$0x1];
	s0 =	srdreg.scid;
	s4 =	simm.s32 $0x0  }
0x3: {  	s5 =	stileid.u32;
	s13 =	simm.s32 $0x200;
	s0 =	sand.u32 $0x1, s0  }
0x4: {  	s14 =	simm.s32 $0x1;
	s15 =	simm.s32 $0x6;
	s3 =	sshll.u32 s0, $0x4  }
0x5: {  	s16 =	simm.s32 $0x0;
	[smem:$0x7FF] =	sst s4;
	s3 =	sor.u32 s5, s3  }
0x6: {  	s6 =	sadd.s32 $0x190000, s1;
	s0 =	ssub.s32 $0x2, s0;
	s8 =	smul.u32 $0x640, s3  }
0x7: {  	_ =	strace $0x80000047;
	s7 =	sshrl.u32 s0, $0x1;
	s9 =	smul.u32 $0x190, s3  }
0x8: {  	s5 =	sadd.s32 $0x193200, s1;
	s0 =	ssub.s32 s0, s7;
	s7 =	smul.u32 $0x19, s3  }
0x9: {  	s10 =	smax.u32 s0, $0x1;
	s8 =	sadd.s32 s5, s8;
	s9 =	sadd.s32 s6, s9  }
.LBB2_1:
0xa: {  	_ =	strace $0x80000048;
	s0 =	simm.s32 $0x8000;
	s31 =	simm.s32 $0x8400  }
0xb: {  	s25 =	simm.s32 $0x0;
	s17 =	simm.s32 $0x0;
	s18 =	simm.s32 $0x0  }
0xc: {  	[tilespmem:s0], [sflag:$0x2] =	stream.linear.gather [hbm4b:s8+s4], $0x200, $0x200038;
	[tilespmem:$0xC380] =	vst v63  }
0xd: {  	s19 =	simm.s32 $0x0;
	s20 =	simm.s32 $0x1;
	s21 =	simm.s32 $0x0  }
0xe: {  	[tilespmem:s31], [sflag:$0x4] =	stream.linear.gather [hbm4b:s9+s4], $0x80, $0x200038;
	[tilespmem:$0xC380] =	vst v63  }
0xf: {  	s22 =	simm.s32 $0x1;
	s23 =	simm.s32 $0x0;
	_ =	strace $0x90000048  }
.LBB2_2:
0x10: {  	s24 =	sadd.s32 $0x1, s25  }
0x11: {  	p0 =	seq.s32 s24, $0x19  }
0x12: {  	s24 =	simm.s32 @p0 $0x0;
	p0 =	seq.s32 s23, $0x18  }
0x13: {  	p1 =	seq.s32 @!p0 s25, s24  }
0x14: {  	p2 =	por p1, p0  }
0x15: {  	s3 =	sadd.s32 @!p2 s7, s24;
	s11 =	sand.u32 @!p2 $0x1, s22  }
0x16: {  	_ =	strace @!p2 $0x80000049;
	s29 =	simm.s32 @!p2 $0x0;
	s28 =	sshll.u32 @!p2 s3, $0x6  }
0x17: {  	s26 =	sshll.u32 @!p2 s11, $0x9;
	s11 =	sor.u32 @!p2 $0x2, s11;
	s28 =	sand.u32 @!p2 $0x1FFFFFC0, s28  }
0x18: {  	s3 =	sshll.u32 @!p2 s3, $0x4;
	s26 =	sor.u32 @!p2 $0x8000, s26;
	s28 =	sadd.s32 @!p2 s5, s28  }
0x19: {  	[tilespmem:s26], [sflag:s11] =	stream.linear.gather @!p2 [hbm4b:s28+s29], $0x200, $0x200038;
	[tilespmem:$0xC380] =	vst v63  }
0x1a: {  	s3 =	sand.u32 @!p2 $0x1FFFFFF0, s3;
	s11 =	sand.u32 @!p2 $0x1, s20  }
0x1b: {  	s3 =	sadd.s32 @!p2 s6, s3;
	_ =	strace @!p2 $0x90000049;
	s26 =	sshll.u32 @!p2 s11, $0x7  }
0x1c: {  	s11 =	sor.u32 @!p2 $0x4, s11;
	_ =	strace @!p2 $0x8000004A;
	s26 =	sor.u32 @!p2 $0x8400, s26  }
0x1d: {  	[tilespmem:s26], [sflag:s11] =	stream.linear.gather @!p2 [hbm4b:s3+s29], $0x80, $0x200038;
	[tilespmem:$0xC380] =	vst v63  }
0x1e: {  	s11 =	sand.u32 $0x1, s21;
	_ =	strace @!p2 $0x9000004A  }
0x1f: {  	s3 =	sor.u32 $0x2, s11;
	_ =	strace $0x8000004B  }
0x20: {  	_ =	swait.ge [sflag:s3], $0x200  }
0x21: {  	[sflag:s3] =	ssyncset.done $0x0  }
0x22: {  	[sflag:s3] =	ssyncadd.s32 $0xFFFFFE00  }
0x23: {  	s12 =	sand.u32 $0x1, s19;
	_ =	strace $0x9000004B  }
0x24: {  	s3 =	sor.u32 $0x4, s12;
	_ =	strace $0x8000004C  }
0x25: {  	_ =	swait.ge [sflag:s3], $0x80  }
0x26: {  	[sflag:s3] =	ssyncset.done $0x0  }
0x27: {  	s26 =	sshll.u32 s21, $0x9;
	[sflag:s3] =	ssyncadd.s32 $0xFFFFFF80  }
0x28: {  	s3 =	sand.u32 $0x200, s26;
	_ =	strace $0x9000004C  }
0x29: {  	s29 =	simm.s32 $0x0;
	s3 =	sor.u32 $0x8000, s3;
	_ =	strace $0x8000004D  }
0x2a: {  	[tilespmem:s29], [sflag:$0x1] =	stream.indirect.gather [hbm4b:s1+s13], $0x40, s3, s13, $0x2000b8;
	[tilespmem:$0xC380] =	vst v63  }
0x2b: {  	_ =	swait.ge [sflag:s14], $0x8000  }
0x2c: {  	[sflag:s14] =	ssyncset.done $0x0  }
0x2d: {  	s28 =	simm.s32 $0x0;
	[sflag:s14] =	ssyncadd.s32 $0xFFFF8000  }
0x2e: {  	v0 =	vld [tilespmem:s28+$0x6000]  }
0x2f: {  	v2 =	vld [tilespmem:s28+$0x4000]  }
0x30: {  	v1 =	vmov s29;
	v3 =	vld [tilespmem:s28+$0x2000]  }
0x31: {  	v4 =	vld [tilespmem:s28+$0x0]  }
0x32: {  	s11 =	sshll.u32 s19, $0x7;
	s26 =	sand.u32 $0x1, s18  }
0x33: {  	s12 =	smul.u32 $0x7D00, s26;
	s3 =	sand.u32 $0x80, s11  }
0x34: {  	s30 =	sor.u32 $0x8400, s3  }
0x35: {  	s11 =	sshrl.u32 s12, $0x2;
	v1 =	vld.idx.msk [tilespmem:v1+s30+$0x0], $0xffff  }
0x36: {  	s12 =	sadd.s32 $0x8520, s11;
	v2 =	vadd.f32 v0, v2;
	v3 =	vadd.f32 v3, v4  }
0x37: {  	v0 =	vmov s12  }
0x38: {  	v2 =	vadd.f32 v2, v3;
	_ =	sdelay $0x1  }
0x39: {  	v2 =	vmul.f32 v2, v1;
	_ =	sdelay $0x1  }
0x3a: {  	[tilespmem:v0+s28+$0xFFFFFFE0 ss:$0x1] =	vst.idx.msk $0xffff, v2  }
0x3b: {  	v2 =	vld [tilespmem:s28+$0x6010]  }
0x3c: {  	v3 =	vld [tilespmem:s28+$0x10]  }
0x3d: {  	v4 =	vld [tilespmem:s28+$0x4010]  }
0x3e: {  	v5 =	vld [tilespmem:s28+$0x2010];
	_ =	sdelay $0x4  }
0x3f: {  	v2 =	vadd.f32 v2, v4;
	v3 =	vadd.f32 v5, v3;
	_ =	sdelay $0x1  }
0x40: {  	v2 =	vadd.f32 v2, v3;
	_ =	sdelay $0x1  }
0x41: {  	v2 =	vmul.f32 v2, v1;
	_ =	sdelay $0x1  }
0x42: {  	[tilespmem:v0+s28+$0xFFFFFFF0 ss:$0x1] =	vst.idx.msk $0xffff, v2  }
0x43: {  	v2 =	vld [tilespmem:s28+$0x20]  }
0x44: {  	v3 =	vld [tilespmem:s28+$0x2020]  }
0x45: {  	v4 =	vld [tilespmem:s28+$0x6020]  }
0x46: {  	v5 =	vld [tilespmem:s28+$0x4020];
	_ =	sdelay $0x4  }
0x47: {  	v2 =	vadd.f32 v3, v2;
	v3 =	vadd.f32 v4, v5;
	_ =	sdelay $0x1  }
0x48: {  	v2 =	vadd.f32 v3, v2;
	_ =	sdelay $0x1  }
0x49: {  	v2 =	vmul.f32 v2, v1;
	_ =	sdelay $0x1  }
0x4a: {  	[tilespmem:v0+s28+$0x0 ss:$0x1] =	vst.idx.msk $0xffff, v2  }
0x4b: {  	s31 =	simm.s32 $0x0;
	p1 =	por !p1, p0;
	v2 =	vld [tilespmem:s28+$0x30]  }
0x4c: {  	s0 =	smov.u32 s22;
	s31 =	simm.s32 @p1 $0x1;
	s3 =	sadd.s32 @!p2 $0x1, s22;
	v3 =	vld [tilespmem:s28+$0x6030]  }
0x4d: {  	s31 =	simm.s32 @p0 $0x0;
	s22 =	smov.u32 @p1 s3;
	s3 =	sadd.s32 s7, s25;
	v4 =	vld [tilespmem:s28+$0x2030]  }
0x4e: {  	s22 =	smov.u32 @p0 s0;
	s0 =	sadd.s32 $0x8500, s11;
	s11 =	simm.s32 $0x100;
	v5 =	vld [tilespmem:s28+$0x4030]  }
.LBB2_3:
0x4f: {  	p1 =	sne.s32 s11, $0x7C00  }
0x50: {  	s29 =	sadd.s32 $0x1, s29;
	s12 =	smov.u32 s11;
	s11 =	sadd.s32 $0x100, s11  }
0x51: {  	_ = 	snop  }
0x52: {  	v2 =	vadd.f32 v4, v2  }
0x53: {  	v3 =	vadd.f32 v3, v5;
	_ =	sdelay $0x1  }
0x54: {  	v2 =	vadd.f32 v3, v2;
	_ =	sdelay $0x1  }
0x55: {  	v1 =	vmul.f32 v2, v1;
	_ =	sdelay $0x1  }
0x56: {  	[tilespmem:v0+s28+$0x10 ss:$0x1] =	vst.idx.msk $0xffff, v1;
	s28 =	sshra.s32 s12, $0x2  }
0x57: {  	v2 =	vld [tilespmem:s28+$0x6000]  }
0x58: {  	v1 =	vmov s29;
	v3 =	vld [tilespmem:s28+$0x4000]  }
0x59: {  	v4 =	vld [tilespmem:s28+$0x2000]  }
0x5a: {  	v5 =	vld [tilespmem:s28+$0x0];
	_ =	sdelay $0x2  }
0x5b: {  	v1 =	vld.idx.msk [tilespmem:v1+s30+$0x0], $0xffff;
	v2 =	vadd.f32 v2, v3;
	_ =	sdelay $0x1  }
0x5c: {  	v3 =	vadd.f32 v4, v5;
	_ =	sdelay $0x1  }
0x5d: {  	v2 =	vadd.f32 v2, v3;
	_ =	sdelay $0x1  }
0x5e: {  	v2 =	vmul.f32 v2, v1;
	_ =	sdelay $0x1  }
0x5f: {  	[tilespmem:v0+s28+$0xFFFFFFE0 ss:$0x1] =	vst.idx.msk $0xffff, v2  }
0x60: {  	v2 =	vld [tilespmem:s28+$0x6010]  }
0x61: {  	v3 =	vld [tilespmem:s28+$0x10]  }
0x62: {  	v4 =	vld [tilespmem:s28+$0x4010]  }
0x63: {  	v5 =	vld [tilespmem:s28+$0x2010];
	_ =	sdelay $0x3  }
0x64: {  	v2 =	vadd.f32 v2, v4  }
0x65: {  	v3 =	vadd.f32 v5, v3;
	_ =	sdelay $0x1  }
0x66: {  	v2 =	vadd.f32 v2, v3;
	_ =	sdelay $0x1  }
0x67: {  	v2 =	vmul.f32 v2, v1;
	_ =	sdelay $0x1  }
0x68: {  	[tilespmem:v0+s28+$0xFFFFFFF0 ss:$0x1] =	vst.idx.msk $0xffff, v2  }
0x69: {  	v2 =	vld [tilespmem:s28+$0x20]  }
0x6a: {  	v3 =	vld [tilespmem:s28+$0x2020]  }
0x6b: {  	v4 =	vld [tilespmem:s28+$0x6020]  }
0x6c: {  	v5 =	vld [tilespmem:s28+$0x4020];
	_ =	sdelay $0x2  }
0x6d: {  	v2 =	vadd.f32 v3, v2;
	_ =	sdelay $0x1  }
0x6e: {  	v3 =	vadd.f32 v4, v5;
	_ =	sdelay $0x1  }
0x6f: {  	v2 =	vadd.f32 v3, v2;
	_ =	sdelay $0x1  }
0x70: {  	v2 =	vmul.f32 v2, v1;
	_ =	sdelay $0x1  }
.Ltmp0:
0x71: {  	[tilespmem:v0+s28+$0x0 ss:$0x1] =	vst.idx.msk $0xffff, v2;
	(pc) =	sbr.rel @p1 .LBB2_3-.Ltmp0, $4  }
0x72: {  	v2 =	vld [tilespmem:s28+$0x30]  }
0x73: {  	v3 =	vld [tilespmem:s28+$0x6030]  }
0x74: {  	v4 =	vld [tilespmem:s28+$0x2030]  }
0x75: {  	v5 =	vld [tilespmem:s28+$0x4030]  }
0x76: {  	_ =	sdelay $0x3  }
0x77: {  	v2 =	vadd.f32 v4, v2;
	v3 =	vadd.f32 v3, v5;
	_ =	sdelay $0x1  }
0x78: {  	v2 =	vadd.f32 v3, v2  }
0x79: {  	p1 =	sne.s32 s25, s24  }
0x7a: {  	p0 =	por p0, p1;
	v1 =	vmul.f32 v2, v1  }
0x7b: {  	s3 =	smul.u32 @p0 $0x1F40, s3  }
0x7c: {  	p1 =	seq.s32 s23, $0x0;
	[tilespmem:v0+s28+$0x10 ss:$0x1] =	vst.idx.msk $0xffff, v1  }
0x7d: {  	s11 =	sor.u32 @p0 $0x6, s26;
	s3 =	sshrl.u32 @p0 s3, $0x3;
	_ =	strace $0x9000004D  }
0x7e: {  	s12 =	simm.s32 @p0 $0x0;
	s3 =	sadd.s32 @p0 s2, s3;
	_ =	strace @p0 $0x8000004E  }
0x7f: {  	[hbm4b:s3+s12] =	stream.linear.scatter @p0 [tilespmem:s0], [sflag:s11], $0x1F40, $0x200038;
	[tilespmem:$0xC380] =	vst v63  }
0x80: {  	s0 =	sand.u32 @!p1 $0x1, s17;
	_ =	strace @p0 $0x9000004E  }
0x81: {  	s0 =	sor.u32 @!p1 $0x6, s0;
	_ =	strace @!p1 $0x8000004F  }
0x82: {  	s3 =	simm.s32 $0x1;
	_ =	swait.ge @!p1 [sflag:s0], $0x1F40  }
0x83: {  	s3 =	simm.s32 @!p0 $0x0;
	p0 =	sne.s32 s23, $0x0;
	[sflag:s0] =	ssyncset.done @!p1 $0x0  }
0x84: {  	s23 =	sadd.s32 $0x1, s23;
	[sflag:s0] =	ssyncadd.s32 @!p1 $0xFFFFE0C0;
	s0 =	simm.s32 $0x1  }
0x85: {  	s0 =	simm.s32 @!p0 $0x0;
	p0 =	sne.s32 s23, $0x19  }
.Ltmp1:
0x86: {  	_ = 	snop;
	(pc) =	sbr.rel @p0 .LBB2_2-.Ltmp1, $4  }
0x87: {  	_ = 	snop  }
0x88: {  	s20 =	sadd.s32 s20, s31  }
0x89: {  	s25 =	smov.u32 s24;
	s18 =	sadd.s32 s3, s18;
	s21 =	sadd.s32 s3, s21  }
0x8a: {  	s19 =	sadd.s32 s3, s19;
	_ =	strace @!p1 $0x9000004F;
	s17 =	sadd.s32 s0, s17  }
0x8b: {  	s16 =	sadd.s32 $0x1, s16  }
0x8c: {  	p0 =	sne.s32 s16, s10  }
.Ltmp2:
0x8d: {  	_ =	strace $0x80000050;
	(pc) =	sbr.rel @p0 .LBB2_1-.Ltmp2, $4  }
0x8e: {  	_ =	swait.ge [sflag:s15], $0x1F40  }
0x8f: {  	[sflag:s15] =	ssyncset.done $0x0  }
0x90: {  	[sflag:s15] =	ssyncadd.s32 $0xFFFFE0C0  }
0x91: {  	_ =	strace $0x90000050  }
0x92: {  	_ =	sfence.sel $0x180000  }
0x93: {  	[bflag:$0x0] =	sbarrier.arrive $0xFFFF  }
0x94: {  	_ =	strace $0x90000047  }
0x95: {  	s0 =	stileid.u32;
	[bflag:$0x2] =	sbarrier.arrive $0xFFFF  }
0x96: {  	p0 =	sne.s32 s0, $0x0;
	s0 =	rddreg [dreg:$0x2]  }
0x97: {  	s0 =	sadd.s32 @!p0 $0x100000, s0  }
0x98: {  	[sflag:s0] =	ssyncadd.tile.s32 @!p0 $0x1;
	_ =	shalt  }
.Lfunc_end2:
_tile_overlayer_lowered:
.L_overlay_start_2:
0x99: {  	(tag) =	ssettag $0x2  }
0x9a: {  	s0 =	rddreg [dreg:$0x0];
	s2 =	stileid.u32  }
0x9b: {  	s1 =	rddreg [dreg:$0x1];
	p0 =	sne.s32 s2, $0x0  }
0x9c: {  	s3 =	rddreg [dreg:$0x2];
	[bflag:$0x3] =	sbarrier.arrive $0xFFFF;
	s2 =	simm.s32 @!p0 $0x1C02  }
0x9d: {  	[timem:s3], [sflag:s2] =	dma.local @!p0 [hbm:s0], s1  }
0x9e: {  	s0 =	simm.s32 @!p0 $0x2  }
0x9f: {  	_ =	swait.ge @!p0 [sflag:s0], s1  }
0xa0: {  	s1 =	ssub.s32 @!p0 $0x0, s1;
	[sflag:s0] =	ssyncset.done @!p0 $0x0  }
0xa1: {  	[sflag:s0] =	ssyncadd.s32 @!p0 s1  }
0xa2: {  	[bflag:$0x3] =	sbarrier.arrive $0xFFFF  }
0xa3: {  	_ =	shalt  }

</sc_bundles>
